<compile_context>
chip_gen: v7x
topology: tpu7x:2x2x1
jax: 0.10.2.dev20260603
libtpu: 0.0.44.dev20260713+nightly
codegen_flags: <defaults>
</compile_context>

<pallas_src>
import jax
import jax.numpy as jnp
from jax import lax
from jax.experimental import pallas as pl
from jax.experimental.pallas import tpu as pltpu
from jax.experimental.pallas import tpu_sc as plsc

N_TOK = 16384
N_CODE = 1024
DIM = 64
BLK = 4096
NCHUNK = 2
TOK_CHUNK = N_TOK // NCHUNK
LANES = 128
NCH = N_CODE // LANES
LOSS_SCALE = 1.25 / (N_TOK * DIM)

SC_CORES = 2
SC_SUBCORES = 16
SC_WORKERS = SC_CORES * SC_SUBCORES
B_PER_W = TOK_CHUNK // SC_WORKERS
PAD_DIM = 128


def _dist_argmin_body(xt_ref, cbt_ref, idx_ref, loss_ref):
    i = pl.program_id(0)
    xt = xt_ref[...]
    cbt = cbt_ref[...]
    xn = jnp.sum(xt * xt, axis=0)
    cn = jnp.sum(cbt * cbt, axis=0)[:, None]
    m2xt = xt * -2.0
    xc2 = lax.dot_general(cbt, m2xt, (((0,), (0,)), ((), ())),
                          preferred_element_type=jnp.float32)
    xnr = xn[None, :]
    best_v = (xnr + xc2[0:LANES, :]) + cn[0:LANES]
    best_c = jnp.zeros((LANES, BLK), jnp.float32)
    for k in range(1, NCH):
        v = (xnr + xc2[k * LANES:(k + 1) * LANES, :]) + cn[k * LANES:(k + 1) * LANES]
        lt = v < best_v
        best_v = jnp.where(lt, v, best_v)
        best_c = jnp.where(lt, jnp.full((LANES, BLK), float(k), jnp.float32),
                           best_c)
    row = lax.broadcasted_iota(jnp.int32, (LANES, BLK), 0).astype(jnp.float32)
    best_j = best_c * float(LANES) + row
    minval = jnp.min(best_v, axis=0, keepdims=True)
    masked = jnp.where(best_v == minval, best_j, float(N_CODE))
    idxf = jnp.min(masked, axis=0)
    idx_ref[...] = idxf.astype(jnp.int32)

    @pl.when(i == 0)
    def _init():
        loss_ref[0, 0] = 0.0

    loss_ref[0, 0] += jnp.sum(minval)


def _make_dist_argmin(chunk):
    blk_off = chunk * (TOK_CHUNK // BLK)
    return pl.pallas_call(
        _dist_argmin_body,
        grid=(TOK_CHUNK // BLK,),
        in_specs=[
            pl.BlockSpec((DIM, BLK), lambda i: (0, i + blk_off)),
            pl.BlockSpec((DIM, N_CODE), lambda i: (0, 0)),
        ],
        out_specs=[
            pl.BlockSpec((BLK,), lambda i: (i,)),
            pl.BlockSpec((1, 1), lambda i: (0, 0), memory_space=pltpu.SMEM),
        ],
        out_shape=[
            jax.ShapeDtypeStruct((TOK_CHUNK,), jnp.int32),
            jax.ShapeDtypeStruct((1, 1), jnp.float32),
        ],
    )


def _gather_body(cb_hbm, idx_hbm, out_hbm, idx_v, rows_v, sem):
    wid = lax.axis_index("s") * SC_CORES + lax.axis_index("c")
    base = wid * B_PER_W
    pltpu.sync_copy(idx_hbm.at[pl.ds(base, B_PER_W)], idx_v)
    pltpu.async_copy(cb_hbm.at[idx_v], rows_v, sem).wait()
    pltpu.sync_copy(rows_v, out_hbm.at[pl.ds(base, B_PER_W), pl.ds(0, DIM)])


def _make_gather():
    return pl.kernel(
        _gather_body,
        mesh=plsc.VectorSubcoreMesh(core_axis_name="c", subcore_axis_name="s"),
        out_type=jax.ShapeDtypeStruct((TOK_CHUNK, PAD_DIM), jnp.float32),
        scratch_types=[
            pltpu.VMEM((B_PER_W,), jnp.int32),
            pltpu.VMEM((B_PER_W, DIM), jnp.float32),
            pltpu.SemaphoreType.DMA,
        ],
        compiler_params=pltpu.CompilerParams(use_tc_tiling_on_sc=False),
    )


TR_BLK = 4096


def _tr_body_first(g_ref, qt_ref):
    qt_ref[...] = g_ref[:, 0:DIM].T


def _tr_body_acc(g_ref, qt_in_ref, qt_ref):
    del qt_in_ref
    qt_ref[...] = g_ref[:, 0:DIM].T


def _make_transpose(chunk):
    blk_off = chunk * (TOK_CHUNK // TR_BLK)
    g_spec = pl.BlockSpec((TR_BLK, PAD_DIM), lambda i: (i, 0))
    out_spec = pl.BlockSpec((DIM, TR_BLK), lambda i: (0, i + blk_off))
    out_shape = jax.ShapeDtypeStruct((DIM, N_TOK), jnp.float32)
    if chunk == 0:
        return pl.pallas_call(
            _tr_body_first,
            grid=(TOK_CHUNK // TR_BLK,),
            in_specs=[g_spec],
            out_specs=out_spec,
            out_shape=out_shape,
        )
    return pl.pallas_call(
        _tr_body_acc,
        grid=(TOK_CHUNK // TR_BLK,),
        in_specs=[g_spec, pl.BlockSpec(memory_space=pl.ANY)],
        out_specs=out_spec,
        out_shape=out_shape,
        input_output_aliases={1: 0},
    )


def kernel(inputs, codebook):
    xt = inputs.T
    cbt = codebook.T
    idxs, gathers = [], []
    loss_sum = None
    for c in range(NCHUNK):
        idx_c, loss_c = _make_dist_argmin(c)(xt, cbt)
        g_c = _make_gather()(codebook, idx_c)
        idxs.append(idx_c)
        gathers.append(g_c)
        s = loss_c[0, 0]
        loss_sum = s if loss_sum is None else loss_sum + s
    qt = _make_transpose(0)(gathers[0])
    for c in range(1, NCHUNK):
        qt = _make_transpose(c)(gathers[c], qt)
    if NCHUNK == 1:
        idx = idxs[0]
    else:
        idx = jnp.zeros((N_TOK,), jnp.int32)
        for c in range(NCHUNK):
            idx = lax.dynamic_update_slice(idx, idxs[c], (c * TOK_CHUNK,))
    return qt.T, loss_sum * LOSS_SCALE, idx

# --- scband reference (transcript-rebuilt; emitter-appended) ---
"""Pipeline reference for scband-vector-quantizer-83193516524131 (READ-ONLY COPY).

The authoritative reference and input builder live on the scoring server;
editing this copy changes nothing except your own understanding.
"""

import jax, jax.numpy as jnp
import numpy as np

NUM_EMBEDDINGS = 1024
EMBEDDING_DIM = 64
COMMITMENT_COST = 0.25


def setup_inputs(seed: int = 0) -> dict:
    key = jax.random.key(seed)
    k_in, k_cb = jax.random.split(key)
    inputs = jax.random.normal(k_in, (16384, EMBEDDING_DIM), dtype=jnp.float32)
    codebook = jax.random.uniform(k_cb, (NUM_EMBEDDINGS, EMBEDDING_DIM), dtype=jnp.float32, minval=-1.0, maxval=1.0)
    return {"inputs": inputs, "codebook": codebook}


def reference(inputs, codebook):
    # distances[i, j] = ||inputs_i||^2 - 2 <inputs_i, codebook_j> + ||codebook_j||^2
    distances = (
        jnp.sum(inputs ** 2, axis=1, keepdims=True)
        - 2.0 * jnp.matmul(inputs, codebook.T)
        + jnp.sum(codebook ** 2, axis=1)
    )
    encoding_indices = jnp.argmin(distances, axis=1)
    quantized = jnp.take(codebook, encoding_indices, axis=0)
    vq_loss = (
        jnp.mean((jax.lax.stop_gradient(inputs) - quantized) ** 2)
        + COMMITMENT_COST * jnp.mean((inputs - jax.lax.stop_gradient(quantized)) ** 2)
    )
    quantized_st = inputs + jax.lax.stop_gradient(quantized - inputs)
    return (quantized_st, vq_loss, encoding_indices)

if __name__ == "__main__":
    import jax
    _d = setup_inputs()
    print(jax.jit(kernel)(*tuple(_d.values())))

</pallas_src>

<mosaic_0001>
#map = affine_map<(d0, d1) -> (0, 0)>
#map1 = affine_map<(d0, d1) -> (0)>
module attributes {stable_mosaic.version = 14 : i64} {
  func.func @_gather_body(%arg0: i32, %arg1: i32, %arg2: memref<1024x64xf32, #tpu.memory_space<hbm>>, %arg3: memref<8192xi32, #tpu.memory_space<hbm>>, %arg4: memref<8192x128xf32, #tpu.memory_space<hbm>>, %arg5: memref<256xi32, #tpu.memory_space<vmem>>, %arg6: memref<256x64xf32, #tpu.memory_space<vmem>>, %arg7: memref<!tpu.dma_semaphore, #tpu.memory_space<semaphore_mem>>) attributes {dimension_semantics = [#tpu.dimension_semantics<core_parallel>, #tpu.dimension_semantics<subcore_parallel>], iteration_bounds = array<i64: 2, 16>, scalar_prefetch = 0 : i64, scratch_operands = 3 : i64, tpu.core_type = #tpu.core_type<sc_vector_subcore>, window_params = [{transform_indices = #map}, {transform_indices = #map1}, {transform_indices = #map}]} {
    %mul3A = arith.constant 2 : i32
    %mul3A_0 = arith.muli %arg1, %mul3A : i32
    %add3A = arith.addi %mul3A_0, %arg0 : i32
    %mul3A_1 = arith.constant 256 : i32
    %mul3A_2 = arith.muli %add3A, %mul3A_1 : i32
    "tpu.region"() ({
      %run_scoped3A = tpu.sem_alloc : memref<!tpu.dma_semaphore, #tpu.memory_space<semaphore_mem>>
      %dma_start3A_7 = tpu.memref_slice %arg3[%mul3A_2] : memref<8192xi32, #tpu.memory_space<hbm>> -> memref<256xi32, #tpu.memory_space<hbm>>
      %dma_start3A_8 = tpu.memref_slice %arg3[%mul3A_2] : memref<8192xi32, #tpu.memory_space<hbm>> -> memref<256xi32, #tpu.memory_space<hbm>>
      tpu.enqueue_dma source(%dma_start3A_8 : memref<256xi32, #tpu.memory_space<hbm>>) target(%arg5 : memref<256xi32, #tpu.memory_space<vmem>>) target_semaphore(%run_scoped3A : memref<!tpu.dma_semaphore, #tpu.memory_space<semaphore_mem>>)
      %dma_wait3A_9 = tpu.memref_slice %arg3[%mul3A_2] : memref<8192xi32, #tpu.memory_space<hbm>> -> memref<256xi32, #tpu.memory_space<hbm>>
      %dma_wait3A_10 = tpu.memref_slice %arg3[%mul3A_2] : memref<8192xi32, #tpu.memory_space<hbm>> -> memref<256xi32, #tpu.memory_space<hbm>>
      tpu.wait_dma2 semaphore(%run_scoped3A : memref<!tpu.dma_semaphore, #tpu.memory_space<semaphore_mem>>) src(%dma_wait3A_10 : memref<256xi32, #tpu.memory_space<hbm>>) dst(%arg5 : memref<256xi32, #tpu.memory_space<vmem>>)
      tpu.yield
    }) : () -> ()
    %dma_start3A = arith.constant 0 : i32
    %dma_start3A_3 = arith.constant 0 : i32
    %dma_start3A_4 = tpu.memref_slice %arg2[%dma_start3A, %dma_start3A_3] : memref<1024x64xf32, #tpu.memory_space<hbm>> -> memref<1024x64xf32, #tpu.memory_space<hbm>>
    tpu.enqueue_indirect_dma source(%dma_start3A_4 : memref<1024x64xf32, #tpu.memory_space<hbm>>) target(%arg6 : memref<256x64xf32, #tpu.memory_space<vmem>>) offsets(%arg5 : memref<256xi32, #tpu.memory_space<vmem>>) semaphore(%arg7 : memref<!tpu.dma_semaphore, #tpu.memory_space<semaphore_mem>>)
    %dma_wait3A = arith.constant 0 : i32
    %dma_wait3A_5 = arith.constant 0 : i32
    %dma_wait3A_6 = tpu.memref_slice %arg2[%dma_wait3A, %dma_wait3A_5] : memref<1024x64xf32, #tpu.memory_space<hbm>> -> memref<1024x64xf32, #tpu.memory_space<hbm>>
    tpu.wait_indirect_dma semaphore(%arg7 : memref<!tpu.dma_semaphore, #tpu.memory_space<semaphore_mem>>) src(%dma_wait3A_6 : memref<1024x64xf32, #tpu.memory_space<hbm>>) dst(%arg6 : memref<256x64xf32, #tpu.memory_space<vmem>>)
    "tpu.region"() ({
      %run_scoped3A = tpu.sem_alloc : memref<!tpu.dma_semaphore, #tpu.memory_space<semaphore_mem>>
      %dma_start3A_7 = arith.constant 0 : i32
      %dma_start3A_8 = tpu.memref_slice %arg4[%mul3A_2, %dma_start3A_7] : memref<8192x128xf32, #tpu.memory_space<hbm>> -> memref<256x64xf32, #tpu.memory_space<hbm>>
      %dma_start3A_9 = arith.constant 0 : i32
      %dma_start3A_10 = tpu.memref_slice %arg4[%mul3A_2, %dma_start3A_9] : memref<8192x128xf32, #tpu.memory_space<hbm>> -> memref<256x64xf32, #tpu.memory_space<hbm>>
      tpu.enqueue_dma source(%arg6 : memref<256x64xf32, #tpu.memory_space<vmem>>) target(%dma_start3A_10 : memref<256x64xf32, #tpu.memory_space<hbm>>) target_semaphore(%run_scoped3A : memref<!tpu.dma_semaphore, #tpu.memory_space<semaphore_mem>>)
      %dma_wait3A_11 = arith.constant 0 : i32
      %dma_wait3A_12 = tpu.memref_slice %arg4[%mul3A_2, %dma_wait3A_11] : memref<8192x128xf32, #tpu.memory_space<hbm>> -> memref<256x64xf32, #tpu.memory_space<hbm>>
      %dma_wait3A_13 = arith.constant 0 : i32
      %dma_wait3A_14 = tpu.memref_slice %arg4[%mul3A_2, %dma_wait3A_13] : memref<8192x128xf32, #tpu.memory_space<hbm>> -> memref<256x64xf32, #tpu.memory_space<hbm>>
      tpu.wait_dma2 semaphore(%run_scoped3A : memref<!tpu.dma_semaphore, #tpu.memory_space<semaphore_mem>>) src(%arg6 : memref<256x64xf32, #tpu.memory_space<vmem>>) dst(%dma_wait3A_14 : memref<256x64xf32, #tpu.memory_space<hbm>>)
      tpu.yield
    }) : () -> ()
    return
  }
}

#map = affine_map<(d0, d1) -> (0, 0)>
#map1 = affine_map<(d0, d1) -> (0)>
module attributes {stable_mosaic.version = 14 : i64} {
  func.func @_gather_body(%arg0: i32, %arg1: i32, %arg2: memref<1024x64xf32, #tpu.memory_space<hbm>>, %arg3: memref<8192xi32, #tpu.memory_space<hbm>>, %arg4: memref<8192x128xf32, #tpu.memory_space<hbm>>, %arg5: memref<256xi32, #tpu.memory_space<vmem>>, %arg6: memref<256x64xf32, #tpu.memory_space<vmem>>, %arg7: memref<!tpu.dma_semaphore, #tpu.memory_space<semaphore_mem>>) attributes {dimension_semantics = [#tpu.dimension_semantics<core_parallel>, #tpu.dimension_semantics<subcore_parallel>], iteration_bounds = array<i64: 2, 16>, scalar_prefetch = 0 : i64, scratch_operands = 3 : i64, tpu.core_type = #tpu.core_type<sc_vector_subcore>, window_params = [{transform_indices = #map}, {transform_indices = #map1}, {transform_indices = #map}]} {
    %mul3A = arith.constant 2 : i32
    %mul3A_0 = arith.muli %arg1, %mul3A : i32
    %add3A = arith.addi %mul3A_0, %arg0 : i32
    %mul3A_1 = arith.constant 256 : i32
    %mul3A_2 = arith.muli %add3A, %mul3A_1 : i32
    "tpu.region"() ({
      %run_scoped3A = tpu.sem_alloc : memref<!tpu.dma_semaphore, #tpu.memory_space<semaphore_mem>>
      %dma_start3A_7 = tpu.memref_slice %arg3[%mul3A_2] : memref<8192xi32, #tpu.memory_space<hbm>> -> memref<256xi32, #tpu.memory_space<hbm>>
      %dma_start3A_8 = tpu.memref_slice %arg3[%mul3A_2] : memref<8192xi32, #tpu.memory_space<hbm>> -> memref<256xi32, #tpu.memory_space<hbm>>
      tpu.enqueue_dma source(%dma_start3A_8 : memref<256xi32, #tpu.memory_space<hbm>>) target(%arg5 : memref<256xi32, #tpu.memory_space<vmem>>) target_semaphore(%run_scoped3A : memref<!tpu.dma_semaphore, #tpu.memory_space<semaphore_mem>>)
      %dma_wait3A_9 = tpu.memref_slice %arg3[%mul3A_2] : memref<8192xi32, #tpu.memory_space<hbm>> -> memref<256xi32, #tpu.memory_space<hbm>>
      %dma_wait3A_10 = tpu.memref_slice %arg3[%mul3A_2] : memref<8192xi32, #tpu.memory_space<hbm>> -> memref<256xi32, #tpu.memory_space<hbm>>
      tpu.wait_dma2 semaphore(%run_scoped3A : memref<!tpu.dma_semaphore, #tpu.memory_space<semaphore_mem>>) src(%dma_wait3A_10 : memref<256xi32, #tpu.memory_space<hbm>>) dst(%arg5 : memref<256xi32, #tpu.memory_space<vmem>>)
      tpu.yield
    }) : () -> ()
    %dma_start3A = arith.constant 0 : i32
    %dma_start3A_3 = arith.constant 0 : i32
    %dma_start3A_4 = tpu.memref_slice %arg2[%dma_start3A, %dma_start3A_3] : memref<1024x64xf32, #tpu.memory_space<hbm>> -> memref<1024x64xf32, #tpu.memory_space<hbm>>
    tpu.enqueue_indirect_dma source(%dma_start3A_4 : memref<1024x64xf32, #tpu.memory_space<hbm>>) target(%arg6 : memref<256x64xf32, #tpu.memory_space<vmem>>) offsets(%arg5 : memref<256xi32, #tpu.memory_space<vmem>>) semaphore(%arg7 : memref<!tpu.dma_semaphore, #tpu.memory_space<semaphore_mem>>)
    %dma_wait3A = arith.constant 0 : i32
    %dma_wait3A_5 = arith.constant 0 : i32
    %dma_wait3A_6 = tpu.memref_slice %arg2[%dma_wait3A, %dma_wait3A_5] : memref<1024x64xf32, #tpu.memory_space<hbm>> -> memref<1024x64xf32, #tpu.memory_space<hbm>>
    tpu.wait_indirect_dma semaphore(%arg7 : memref<!tpu.dma_semaphore, #tpu.memory_space<semaphore_mem>>) src(%dma_wait3A_6 : memref<1024x64xf32, #tpu.memory_space<hbm>>) dst(%arg6 : memref<256x64xf32, #tpu.memory_space<vmem>>)
    "tpu.region"() ({
      %run_scoped3A = tpu.sem_alloc : memref<!tpu.dma_semaphore, #tpu.memory_space<semaphore_mem>>
      %dma_start3A_7 = arith.constant 0 : i32
      %dma_start3A_8 = tpu.memref_slice %arg4[%mul3A_2, %dma_start3A_7] : memref<8192x128xf32, #tpu.memory_space<hbm>> -> memref<256x64xf32, #tpu.memory_space<hbm>>
      %dma_start3A_9 = arith.constant 0 : i32
      %dma_start3A_10 = tpu.memref_slice %arg4[%mul3A_2, %dma_start3A_9] : memref<8192x128xf32, #tpu.memory_space<hbm>> -> memref<256x64xf32, #tpu.memory_space<hbm>>
      tpu.enqueue_dma source(%arg6 : memref<256x64xf32, #tpu.memory_space<vmem>>) target(%dma_start3A_10 : memref<256x64xf32, #tpu.memory_space<hbm>>) target_semaphore(%run_scoped3A : memref<!tpu.dma_semaphore, #tpu.memory_space<semaphore_mem>>)
      %dma_wait3A_11 = arith.constant 0 : i32
      %dma_wait3A_12 = tpu.memref_slice %arg4[%mul3A_2, %dma_wait3A_11] : memref<8192x128xf32, #tpu.memory_space<hbm>> -> memref<256x64xf32, #tpu.memory_space<hbm>>
      %dma_wait3A_13 = arith.constant 0 : i32
      %dma_wait3A_14 = tpu.memref_slice %arg4[%mul3A_2, %dma_wait3A_13] : memref<8192x128xf32, #tpu.memory_space<hbm>> -> memref<256x64xf32, #tpu.memory_space<hbm>>
      tpu.wait_dma2 semaphore(%run_scoped3A : memref<!tpu.dma_semaphore, #tpu.memory_space<semaphore_mem>>) src(%arg6 : memref<256x64xf32, #tpu.memory_space<vmem>>) dst(%dma_wait3A_14 : memref<256x64xf32, #tpu.memory_space<hbm>>)
      tpu.yield
    }) : () -> ()
    return
  }
}

module attributes {stable_mosaic.version = 14 : i64} {
  func.func @_dist_argmin_body(%arg0: i32, %arg1: memref<64x4096xf32, #tpu.memory_space<vmem>>, %arg2: memref<64x1024xf32, #tpu.memory_space<vmem>>, %arg3: memref<4096xi32, #tpu.memory_space<vmem>>, %arg4: memref<1x1xf32, #tpu.memory_space<smem>>) attributes {dimension_semantics = [#tpu.dimension_semantics<arbitrary>], iteration_bounds = array<i64: 2>, scalar_prefetch = 0 : i64, scratch_operands = 0 : i64, tpu.core_type = #tpu.core_type<tc>, window_params = [{transform_indices = @transform_0, window_bounds = array<i64: 64, 4096>}, {pipeline_mode = #tpu.pipeline_mode<synchronous>, transform_indices = @transform_1, window_bounds = array<i64: 64, 1024>}, {transform_indices = @transform_2, window_bounds = array<i64: 4096>}, {transform_indices = @transform_3, window_bounds = array<i64: 1, 1>}]} {
    %get3A = arith.constant 0 : index
    %get3A_0 = arith.constant 0 : index
    %get3A_1 = vector.load %arg1[%get3A, %get3A_0] : memref<64x4096xf32, #tpu.memory_space<vmem>>, vector<64x4096xf32>
    %get3A_2 = arith.constant 0 : index
    %get3A_3 = arith.constant 0 : index
    %get3A_4 = vector.load %arg2[%get3A_2, %get3A_3] : memref<64x1024xf32, #tpu.memory_space<vmem>>, vector<64x1024xf32>
    %mul3A = arith.mulf %get3A_1, %get3A_1 : vector<64x4096xf32>
    %reduce_sum3A = arith.constant dense<0.000000e+00> : vector<4096xf32>
    %reduce_sum3A_5 = vector.multi_reduction <add>, %mul3A, %reduce_sum3A [0] : vector<64x4096xf32> to vector<4096xf32>
    %mul3A_6 = arith.mulf %get3A_4, %get3A_4 : vector<64x1024xf32>
    %reduce_sum3A_7 = arith.constant dense<0.000000e+00> : vector<1024xf32>
    %reduce_sum3A_8 = vector.multi_reduction <add>, %mul3A_6, %reduce_sum3A_7 [0] : vector<64x1024xf32> to vector<1024xf32>
    %broadcast_in_dim3A = vector.shape_cast %reduce_sum3A_8 : vector<1024xf32> to vector<1024x1xf32>
    %mul3A_9 = arith.constant -2.000000e+00 : f32
    %mul3A_10 = vector.broadcast %mul3A_9 : f32 to vector<64x4096xf32>
    %mul3A_11 = arith.mulf %get3A_1, %mul3A_10 : vector<64x4096xf32>
    %dot_general3A = arith.constant dense<0.000000e+00> : vector<1024x4096xf32>
    %dot_general3A_12 = tpu.matmul %get3A_4, %mul3A_11, %dot_general3A {dimension_numbers = #tpu.dot_dimension_numbers<[0], [0], [1], [1], [0, 1, 1, 1], [], []>, transpose_lhs_hint = false} : vector<64x1024xf32>, vector<64x4096xf32>, vector<1024x4096xf32> -> vector<1024x4096xf32>
    %broadcast_in_dim3A_13 = vector.shape_cast %reduce_sum3A_5 : vector<4096xf32> to vector<1x4096xf32>
    %slice3A = vector.extract_strided_slice %dot_general3A_12 {offsets = [0, 0], sizes = [128, 4096], strides = [1, 1]} : vector<1024x4096xf32> to vector<128x4096xf32>
    %add3A = vector.broadcast %broadcast_in_dim3A_13 : vector<1x4096xf32> to vector<128x4096xf32>
    %add3A_14 = arith.addf %add3A, %slice3A : vector<128x4096xf32>
    %slice3A_15 = vector.extract_strided_slice %broadcast_in_dim3A {offsets = [0, 0], sizes = [128, 1], strides = [1, 1]} : vector<1024x1xf32> to vector<128x1xf32>
    %add3A_16 = vector.broadcast %slice3A_15 : vector<128x1xf32> to vector<128x4096xf32>
    %add3A_17 = arith.addf %add3A_14, %add3A_16 : vector<128x4096xf32>
    %broadcast_in_dim3A_18 = arith.constant 0.000000e+00 : f32
    %broadcast_in_dim3A_19 = vector.broadcast %broadcast_in_dim3A_18 : f32 to vector<128x4096xf32>
    %slice3A_20 = vector.extract_strided_slice %dot_general3A_12 {offsets = [128, 0], sizes = [128, 4096], strides = [1, 1]} : vector<1024x4096xf32> to vector<128x4096xf32>
    %add3A_21 = vector.broadcast %broadcast_in_dim3A_13 : vector<1x4096xf32> to vector<128x4096xf32>
    %add3A_22 = arith.addf %add3A_21, %slice3A_20 : vector<128x4096xf32>
    %slice3A_23 = vector.extract_strided_slice %broadcast_in_dim3A {offsets = [128, 0], sizes = [128, 1], strides = [1, 1]} : vector<1024x1xf32> to vector<128x1xf32>
    %add3A_24 = vector.broadcast %slice3A_23 : vector<128x1xf32> to vector<128x4096xf32>
    %add3A_25 = arith.addf %add3A_22, %add3A_24 : vector<128x4096xf32>
    %lt3A = arith.cmpf olt, %add3A_25, %add3A_17 : vector<128x4096xf32>
    %select_n3A = arith.select %lt3A, %add3A_25, %add3A_17 : vector<128x4096xi1>, vector<128x4096xf32>
    %broadcast_in_dim3A_26 = arith.constant 1.000000e+00 : f32
    %broadcast_in_dim3A_27 = vector.broadcast %broadcast_in_dim3A_26 : f32 to vector<128x4096xf32>
    %select_n3A_28 = arith.select %lt3A, %broadcast_in_dim3A_27, %broadcast_in_dim3A_19 : vector<128x4096xi1>, vector<128x4096xf32>
    %slice3A_29 = vector.extract_strided_slice %dot_general3A_12 {offsets = [256, 0], sizes = [128, 4096], strides = [1, 1]} : vector<1024x4096xf32> to vector<128x4096xf32>
    %add3A_30 = vector.broadcast %broadcast_in_dim3A_13 : vector<1x4096xf32> to vector<128x4096xf32>
    %add3A_31 = arith.addf %add3A_30, %slice3A_29 : vector<128x4096xf32>
    %slice3A_32 = vector.extract_strided_slice %broadcast_in_dim3A {offsets = [256, 0], sizes = [128, 1], strides = [1, 1]} : vector<1024x1xf32> to vector<128x1xf32>
    %add3A_33 = vector.broadcast %slice3A_32 : vector<128x1xf32> to vector<128x4096xf32>
    %add3A_34 = arith.addf %add3A_31, %add3A_33 : vector<128x4096xf32>
    %lt3A_35 = arith.cmpf olt, %add3A_34, %select_n3A : vector<128x4096xf32>
    %select_n3A_36 = arith.select %lt3A_35, %add3A_34, %select_n3A : vector<128x4096xi1>, vector<128x4096xf32>
    %broadcast_in_dim3A_37 = arith.constant 2.000000e+00 : f32
    %broadcast_in_dim3A_38 = vector.broadcast %broadcast_in_dim3A_37 : f32 to vector<128x4096xf32>
    %select_n3A_39 = arith.select %lt3A_35, %broadcast_in_dim3A_38, %select_n3A_28 : vector<128x4096xi1>, vector<128x4096xf32>
    %slice3A_40 = vector.extract_strided_slice %dot_general3A_12 {offsets = [384, 0], sizes = [128, 4096], strides = [1, 1]} : vector<1024x4096xf32> to vector<128x4096xf32>
    %add3A_41 = vector.broadcast %broadcast_in_dim3A_13 : vector<1x4096xf32> to vector<128x4096xf32>
    %add3A_42 = arith.addf %add3A_41, %slice3A_40 : vector<128x4096xf32>
    %slice3A_43 = vector.extract_strided_slice %broadcast_in_dim3A {offsets = [384, 0], sizes = [128, 1], strides = [1, 1]} : vector<1024x1xf32> to vector<128x1xf32>
    %add3A_44 = vector.broadcast %slice3A_43 : vector<128x1xf32> to vector<128x4096xf32>
    %add3A_45 = arith.addf %add3A_42, %add3A_44 : vector<128x4096xf32>
    %lt3A_46 = arith.cmpf olt, %add3A_45, %select_n3A_36 : vector<128x4096xf32>
    %select_n3A_47 = arith.select %lt3A_46, %add3A_45, %select_n3A_36 : vector<128x4096xi1>, vector<128x4096xf32>
    %broadcast_in_dim3A_48 = arith.constant 3.000000e+00 : f32
    %broadcast_in_dim3A_49 = vector.broadcast %broadcast_in_dim3A_48 : f32 to vector<128x4096xf32>
    %select_n3A_50 = arith.select %lt3A_46, %broadcast_in_dim3A_49, %select_n3A_39 : vector<128x4096xi1>, vector<128x4096xf32>
    %slice3A_51 = vector.extract_strided_slice %dot_general3A_12 {offsets = [512, 0], sizes = [128, 4096], strides = [1, 1]} : vector<1024x4096xf32> to vector<128x4096xf32>
    %add3A_52 = vector.broadcast %broadcast_in_dim3A_13 : vector<1x4096xf32> to vector<128x4096xf32>
    %add3A_53 = arith.addf %add3A_52, %slice3A_51 : vector<128x4096xf32>
    %slice3A_54 = vector.extract_strided_slice %broadcast_in_dim3A {offsets = [512, 0], sizes = [128, 1], strides = [1, 1]} : vector<1024x1xf32> to vector<128x1xf32>
    %add3A_55 = vector.broadcast %slice3A_54 : vector<128x1xf32> to vector<128x4096xf32>
    %add3A_56 = arith.addf %add3A_53, %add3A_55 : vector<128x4096xf32>
    %lt3A_57 = arith.cmpf olt, %add3A_56, %select_n3A_47 : vector<128x4096xf32>
    %select_n3A_58 = arith.select %lt3A_57, %add3A_56, %select_n3A_47 : vector<128x4096xi1>, vector<128x4096xf32>
    %broadcast_in_dim3A_59 = arith.constant 4.000000e+00 : f32
    %broadcast_in_dim3A_60 = vector.broadcast %broadcast_in_dim3A_59 : f32 to vector<128x4096xf32>
    %select_n3A_61 = arith.select %lt3A_57, %broadcast_in_dim3A_60, %select_n3A_50 : vector<128x4096xi1>, vector<128x4096xf32>
    %slice3A_62 = vector.extract_strided_slice %dot_general3A_12 {offsets = [640, 0], sizes = [128, 4096], strides = [1, 1]} : vector<1024x4096xf32> to vector<128x4096xf32>
    %add3A_63 = vector.broadcast %broadcast_in_dim3A_13 : vector<1x4096xf32> to vector<128x4096xf32>
    %add3A_64 = arith.addf %add3A_63, %slice3A_62 : vector<128x4096xf32>
    %slice3A_65 = vector.extract_strided_slice %broadcast_in_dim3A {offsets = [640, 0], sizes = [128, 1], strides = [1, 1]} : vector<1024x1xf32> to vector<128x1xf32>
    %add3A_66 = vector.broadcast %slice3A_65 : vector<128x1xf32> to vector<128x4096xf32>
    %add3A_67 = arith.addf %add3A_64, %add3A_66 : vector<128x4096xf32>
    %lt3A_68 = arith.cmpf olt, %add3A_67, %select_n3A_58 : vector<128x4096xf32>
    %select_n3A_69 = arith.select %lt3A_68, %add3A_67, %select_n3A_58 : vector<128x4096xi1>, vector<128x4096xf32>
    %broadcast_in_dim3A_70 = arith.constant 5.000000e+00 : f32
    %broadcast_in_dim3A_71 = vector.broadcast %broadcast_in_dim3A_70 : f32 to vector<128x4096xf32>
    %select_n3A_72 = arith.select %lt3A_68, %broadcast_in_dim3A_71, %select_n3A_61 : vector<128x4096xi1>, vector<128x4096xf32>
    %slice3A_73 = vector.extract_strided_slice %dot_general3A_12 {offsets = [768, 0], sizes = [128, 4096], strides = [1, 1]} : vector<1024x4096xf32> to vector<128x4096xf32>
    %add3A_74 = vector.broadcast %broadcast_in_dim3A_13 : vector<1x4096xf32> to vector<128x4096xf32>
    %add3A_75 = arith.addf %add3A_74, %slice3A_73 : vector<128x4096xf32>
    %slice3A_76 = vector.extract_strided_slice %broadcast_in_dim3A {offsets = [768, 0], sizes = [128, 1], strides = [1, 1]} : vector<1024x1xf32> to vector<128x1xf32>
    %add3A_77 = vector.broadcast %slice3A_76 : vector<128x1xf32> to vector<128x4096xf32>
    %add3A_78 = arith.addf %add3A_75, %add3A_77 : vector<128x4096xf32>
    %lt3A_79 = arith.cmpf olt, %add3A_78, %select_n3A_69 : vector<128x4096xf32>
    %select_n3A_80 = arith.select %lt3A_79, %add3A_78, %select_n3A_69 : vector<128x4096xi1>, vector<128x4096xf32>
    %broadcast_in_dim3A_81 = arith.constant 6.000000e+00 : f32
    %broadcast_in_dim3A_82 = vector.broadcast %broadcast_in_dim3A_81 : f32 to vector<128x4096xf32>
    %select_n3A_83 = arith.select %lt3A_79, %broadcast_in_dim3A_82, %select_n3A_72 : vector<128x4096xi1>, vector<128x4096xf32>
    %slice3A_84 = vector.extract_strided_slice %dot_general3A_12 {offsets = [896, 0], sizes = [128, 4096], strides = [1, 1]} : vector<1024x4096xf32> to vector<128x4096xf32>
    %add3A_85 = vector.broadcast %broadcast_in_dim3A_13 : vector<1x4096xf32> to vector<128x4096xf32>
    %add3A_86 = arith.addf %add3A_85, %slice3A_84 : vector<128x4096xf32>
    %slice3A_87 = vector.extract_strided_slice %broadcast_in_dim3A {offsets = [896, 0], sizes = [128, 1], strides = [1, 1]} : vector<1024x1xf32> to vector<128x1xf32>
    %add3A_88 = vector.broadcast %slice3A_87 : vector<128x1xf32> to vector<128x4096xf32>
    %add3A_89 = arith.addf %add3A_86, %add3A_88 : vector<128x4096xf32>
    %lt3A_90 = arith.cmpf olt, %add3A_89, %select_n3A_80 : vector<128x4096xf32>
    %select_n3A_91 = arith.select %lt3A_90, %add3A_89, %select_n3A_80 : vector<128x4096xi1>, vector<128x4096xf32>
    %broadcast_in_dim3A_92 = arith.constant 7.000000e+00 : f32
    %broadcast_in_dim3A_93 = vector.broadcast %broadcast_in_dim3A_92 : f32 to vector<128x4096xf32>
    %select_n3A_94 = arith.select %lt3A_90, %broadcast_in_dim3A_93, %select_n3A_83 : vector<128x4096xi1>, vector<128x4096xf32>
    %iota3A = tpu.iota {dimensions = array<i32: 0>} : vector<128x4096xi32>
    %convert_element_type3A = arith.sitofp %iota3A : vector<128x4096xi32> to vector<128x4096xf32>
    %mul3A_95 = arith.constant 1.280000e+02 : f32
    %mul3A_96 = vector.broadcast %mul3A_95 : f32 to vector<128x4096xf32>
    %mul3A_97 = arith.mulf %select_n3A_94, %mul3A_96 : vector<128x4096xf32>
    %add3A_98 = arith.addf %mul3A_97, %convert_element_type3A : vector<128x4096xf32>
    %reduce_min3A = arith.constant dense<0x7F800000> : vector<4096xf32>
    %reduce_min3A_99 = vector.multi_reduction <minimumf>, %select_n3A_91, %reduce_min3A [0] : vector<128x4096xf32> to vector<4096xf32>
    %broadcast_in_dim3A_100 = vector.shape_cast %reduce_min3A_99 : vector<4096xf32> to vector<1x4096xf32>
    %eq3A = vector.broadcast %broadcast_in_dim3A_100 : vector<1x4096xf32> to vector<128x4096xf32>
    %eq3A_101 = arith.cmpf oeq, %select_n3A_91, %eq3A : vector<128x4096xf32>
    %jit3A = arith.constant 1.024000e+03 : f32
    %broadcast_in_dim3A_102 = vector.broadcast %jit3A : f32 to vector<128x4096xf32>
    %select_n3A_103 = arith.select %eq3A_101, %add3A_98, %broadcast_in_dim3A_102 : vector<128x4096xi1>, vector<128x4096xf32>
    %reduce_min3A_104 = arith.constant dense<0x7F800000> : vector<4096xf32>
    %reduce_min3A_105 = vector.multi_reduction <minimumf>, %select_n3A_103, %reduce_min3A_104 [0] : vector<128x4096xf32> to vector<4096xf32>
    %convert_element_type3A_106 = arith.fptosi %reduce_min3A_105 : vector<4096xf32> to vector<4096xi32>
    %swap3A = arith.constant 0 : index
    %swap3A_107 = vector.load %arg3[%swap3A] : memref<4096xi32, #tpu.memory_space<vmem>>, vector<4096xi32>
    tpu.vector_store %arg3[%swap3A], %convert_element_type3A_106 {strides = array<i32>} : memref<4096xi32, #tpu.memory_space<vmem>>, vector<4096xi32>,
    %eq3A_108 = arith.constant 0 : i32
    %eq3A_109 = arith.cmpi eq, %arg0, %eq3A_108 : i32
    %convert_element_type3A_110 = arith.extui %eq3A_109 : i1 to i32
    %cond3A = arith.constant 0 : i32
    %cond3A_111 = arith.cmpi ne, %convert_element_type3A_110, %cond3A : i32
    scf.if %cond3A_111 {
      %swap3A_124 = arith.constant 0.000000e+00 : f32
      %swap3A_125 = arith.constant 0 : index
      %swap3A_126 = arith.constant 0 : index
      %swap3A_127 = memref.load %arg4[%swap3A_125, %swap3A_126] : memref<1x1xf32, #tpu.memory_space<smem>>
      memref.store %swap3A_124, %arg4[%swap3A_125, %swap3A_126] : memref<1x1xf32, #tpu.memory_space<smem>>
    } else {
    }
    %get3A_112 = arith.constant 0 : index
    %get3A_113 = arith.constant 0 : index
    %get3A_114 = memref.load %arg4[%get3A_112, %get3A_113] : memref<1x1xf32, #tpu.memory_space<smem>>
    %reduce_sum3A_115 = vector.shape_cast %broadcast_in_dim3A_100 : vector<1x4096xf32> to vector<1x1x4096xf32>
    %reduce_sum3A_116 = arith.constant dense<0.000000e+00> : vector<1xf32>
    %reduce_sum3A_117 = vector.multi_reduction <add>, %reduce_sum3A_115, %reduce_sum3A_116 [1, 2] : vector<1x1x4096xf32> to vector<1xf32>
    %reduce_sum3A_118 = vector.shape_cast %reduce_sum3A_117 : vector<1xf32> to vector<1x1x1xf32>
    %reduce_sum3A_119 = vector.extract %reduce_sum3A_118[0, 0, 0] : f32 from vector<1x1x1xf32>
    %add3A_120 = arith.addf %get3A_114, %reduce_sum3A_119 : f32
    %swap3A_121 = arith.constant 0 : index
    %swap3A_122 = arith.constant 0 : index
    %swap3A_123 = memref.load %arg4[%swap3A_121, %swap3A_122] : memref<1x1xf32, #tpu.memory_space<smem>>
    memref.store %add3A_120, %arg4[%swap3A_121, %swap3A_122] : memref<1x1xf32, #tpu.memory_space<smem>>
    return
  }
  func.func @transform_0(%arg0: i32) -> (i32, i32) {
    %add3A = arith.constant 2 : i32
    %add3A_0 = arith.addi %arg0, %add3A : i32
    %c0_i32 = arith.constant 0 : i32
    %c0_i32_1 = arith.constant 0 : i32
    return %c0_i32, %add3A_0 : i32, i32
  }
  func.func @transform_1(%arg0: i32) -> (i32, i32) {
    %c0_i32 = arith.constant 0 : i32
    %c0_i32_0 = arith.constant 0 : i32
    %c0_i32_1 = arith.constant 0 : i32
    return %c0_i32, %c0_i32_0 : i32, i32
  }
  func.func @transform_2(%arg0: i32) -> i32 {
    %c0_i32 = arith.constant 0 : i32
    return %arg0 : i32
  }
  func.func @transform_3(%arg0: i32) -> (i32, i32) {
    %c0_i32 = arith.constant 0 : i32
    %c0_i32_0 = arith.constant 0 : i32
    %c0_i32_1 = arith.constant 0 : i32
    return %c0_i32, %c0_i32_0 : i32, i32
  }
}

module attributes {stable_mosaic.version = 14 : i64} {
  func.func @_dist_argmin_body(%arg0: i32, %arg1: memref<64x4096xf32, #tpu.memory_space<vmem>>, %arg2: memref<64x1024xf32, #tpu.memory_space<vmem>>, %arg3: memref<4096xi32, #tpu.memory_space<vmem>>, %arg4: memref<1x1xf32, #tpu.memory_space<smem>>) attributes {dimension_semantics = [#tpu.dimension_semantics<arbitrary>], iteration_bounds = array<i64: 2>, scalar_prefetch = 0 : i64, scratch_operands = 0 : i64, tpu.core_type = #tpu.core_type<tc>, window_params = [{transform_indices = @transform_0, window_bounds = array<i64: 64, 4096>}, {pipeline_mode = #tpu.pipeline_mode<synchronous>, transform_indices = @transform_1, window_bounds = array<i64: 64, 1024>}, {transform_indices = @transform_2, window_bounds = array<i64: 4096>}, {transform_indices = @transform_3, window_bounds = array<i64: 1, 1>}]} {
    %get3A = arith.constant 0 : index
    %get3A_0 = arith.constant 0 : index
    %get3A_1 = vector.load %arg1[%get3A, %get3A_0] : memref<64x4096xf32, #tpu.memory_space<vmem>>, vector<64x4096xf32>
    %get3A_2 = arith.constant 0 : index
    %get3A_3 = arith.constant 0 : index
    %get3A_4 = vector.load %arg2[%get3A_2, %get3A_3] : memref<64x1024xf32, #tpu.memory_space<vmem>>, vector<64x1024xf32>
    %mul3A = arith.mulf %get3A_1, %get3A_1 : vector<64x4096xf32>
    %reduce_sum3A = arith.constant dense<0.000000e+00> : vector<4096xf32>
    %reduce_sum3A_5 = vector.multi_reduction <add>, %mul3A, %reduce_sum3A [0] : vector<64x4096xf32> to vector<4096xf32>
    %mul3A_6 = arith.mulf %get3A_4, %get3A_4 : vector<64x1024xf32>
    %reduce_sum3A_7 = arith.constant dense<0.000000e+00> : vector<1024xf32>
    %reduce_sum3A_8 = vector.multi_reduction <add>, %mul3A_6, %reduce_sum3A_7 [0] : vector<64x1024xf32> to vector<1024xf32>
    %broadcast_in_dim3A = vector.shape_cast %reduce_sum3A_8 : vector<1024xf32> to vector<1024x1xf32>
    %mul3A_9 = arith.constant -2.000000e+00 : f32
    %mul3A_10 = vector.broadcast %mul3A_9 : f32 to vector<64x4096xf32>
    %mul3A_11 = arith.mulf %get3A_1, %mul3A_10 : vector<64x4096xf32>
    %dot_general3A = arith.constant dense<0.000000e+00> : vector<1024x4096xf32>
    %dot_general3A_12 = tpu.matmul %get3A_4, %mul3A_11, %dot_general3A {dimension_numbers = #tpu.dot_dimension_numbers<[0], [0], [1], [1], [0, 1, 1, 1], [], []>, transpose_lhs_hint = false} : vector<64x1024xf32>, vector<64x4096xf32>, vector<1024x4096xf32> -> vector<1024x4096xf32>
    %broadcast_in_dim3A_13 = vector.shape_cast %reduce_sum3A_5 : vector<4096xf32> to vector<1x4096xf32>
    %slice3A = vector.extract_strided_slice %dot_general3A_12 {offsets = [0, 0], sizes = [128, 4096], strides = [1, 1]} : vector<1024x4096xf32> to vector<128x4096xf32>
    %add3A = vector.broadcast %broadcast_in_dim3A_13 : vector<1x4096xf32> to vector<128x4096xf32>
    %add3A_14 = arith.addf %add3A, %slice3A : vector<128x4096xf32>
    %slice3A_15 = vector.extract_strided_slice %broadcast_in_dim3A {offsets = [0, 0], sizes = [128, 1], strides = [1, 1]} : vector<1024x1xf32> to vector<128x1xf32>
    %add3A_16 = vector.broadcast %slice3A_15 : vector<128x1xf32> to vector<128x4096xf32>
    %add3A_17 = arith.addf %add3A_14, %add3A_16 : vector<128x4096xf32>
    %broadcast_in_dim3A_18 = arith.constant 0.000000e+00 : f32
    %broadcast_in_dim3A_19 = vector.broadcast %broadcast_in_dim3A_18 : f32 to vector<128x4096xf32>
    %slice3A_20 = vector.extract_strided_slice %dot_general3A_12 {offsets = [128, 0], sizes = [128, 4096], strides = [1, 1]} : vector<1024x4096xf32> to vector<128x4096xf32>
    %add3A_21 = vector.broadcast %broadcast_in_dim3A_13 : vector<1x4096xf32> to vector<128x4096xf32>
    %add3A_22 = arith.addf %add3A_21, %slice3A_20 : vector<128x4096xf32>
    %slice3A_23 = vector.extract_strided_slice %broadcast_in_dim3A {offsets = [128, 0], sizes = [128, 1], strides = [1, 1]} : vector<1024x1xf32> to vector<128x1xf32>
    %add3A_24 = vector.broadcast %slice3A_23 : vector<128x1xf32> to vector<128x4096xf32>
    %add3A_25 = arith.addf %add3A_22, %add3A_24 : vector<128x4096xf32>
    %lt3A = arith.cmpf olt, %add3A_25, %add3A_17 : vector<128x4096xf32>
    %select_n3A = arith.select %lt3A, %add3A_25, %add3A_17 : vector<128x4096xi1>, vector<128x4096xf32>
    %broadcast_in_dim3A_26 = arith.constant 1.000000e+00 : f32
    %broadcast_in_dim3A_27 = vector.broadcast %broadcast_in_dim3A_26 : f32 to vector<128x4096xf32>
    %select_n3A_28 = arith.select %lt3A, %broadcast_in_dim3A_27, %broadcast_in_dim3A_19 : vector<128x4096xi1>, vector<128x4096xf32>
    %slice3A_29 = vector.extract_strided_slice %dot_general3A_12 {offsets = [256, 0], sizes = [128, 4096], strides = [1, 1]} : vector<1024x4096xf32> to vector<128x4096xf32>
    %add3A_30 = vector.broadcast %broadcast_in_dim3A_13 : vector<1x4096xf32> to vector<128x4096xf32>
    %add3A_31 = arith.addf %add3A_30, %slice3A_29 : vector<128x4096xf32>
    %slice3A_32 = vector.extract_strided_slice %broadcast_in_dim3A {offsets = [256, 0], sizes = [128, 1], strides = [1, 1]} : vector<1024x1xf32> to vector<128x1xf32>
    %add3A_33 = vector.broadcast %slice3A_32 : vector<128x1xf32> to vector<128x4096xf32>
    %add3A_34 = arith.addf %add3A_31, %add3A_33 : vector<128x4096xf32>
    %lt3A_35 = arith.cmpf olt, %add3A_34, %select_n3A : vector<128x4096xf32>
    %select_n3A_36 = arith.select %lt3A_35, %add3A_34, %select_n3A : vector<128x4096xi1>, vector<128x4096xf32>
    %broadcast_in_dim3A_37 = arith.constant 2.000000e+00 : f32
    %broadcast_in_dim3A_38 = vector.broadcast %broadcast_in_dim3A_37 : f32 to vector<128x4096xf32>
    %select_n3A_39 = arith.select %lt3A_35, %broadcast_in_dim3A_38, %select_n3A_28 : vector<128x4096xi1>, vector<128x4096xf32>
    %slice3A_40 = vector.extract_strided_slice %dot_general3A_12 {offsets = [384, 0], sizes = [128, 4096], strides = [1, 1]} : vector<1024x4096xf32> to vector<128x4096xf32>
    %add3A_41 = vector.broadcast %broadcast_in_dim3A_13 : vector<1x4096xf32> to vector<128x4096xf32>
    %add3A_42 = arith.addf %add3A_41, %slice3A_40 : vector<128x4096xf32>
    %slice3A_43 = vector.extract_strided_slice %broadcast_in_dim3A {offsets = [384, 0], sizes = [128, 1], strides = [1, 1]} : vector<1024x1xf32> to vector<128x1xf32>
    %add3A_44 = vector.broadcast %slice3A_43 : vector<128x1xf32> to vector<128x4096xf32>
    %add3A_45 = arith.addf %add3A_42, %add3A_44 : vector<128x4096xf32>
    %lt3A_46 = arith.cmpf olt, %add3A_45, %select_n3A_36 : vector<128x4096xf32>
    %select_n3A_47 = arith.select %lt3A_46, %add3A_45, %select_n3A_36 : vector<128x4096xi1>, vector<128x4096xf32>
    %broadcast_in_dim3A_48 = arith.constant 3.000000e+00 : f32
    %broadcast_in_dim3A_49 = vector.broadcast %broadcast_in_dim3A_48 : f32 to vector<128x4096xf32>
    %select_n3A_50 = arith.select %lt3A_46, %broadcast_in_dim3A_49, %select_n3A_39 : vector<128x4096xi1>, vector<128x4096xf32>
    %slice3A_51 = vector.extract_strided_slice %dot_general3A_12 {offsets = [512, 0], sizes = [128, 4096], strides = [1, 1]} : vector<1024x4096xf32> to vector<128x4096xf32>
    %add3A_52 = vector.broadcast %broadcast_in_dim3A_13 : vector<1x4096xf32> to vector<128x4096xf32>
    %add3A_53 = arith.addf %add3A_52, %slice3A_51 : vector<128x4096xf32>
    %slice3A_54 = vector.extract_strided_slice %broadcast_in_dim3A {offsets = [512, 0], sizes = [128, 1], strides = [1, 1]} : vector<1024x1xf32> to vector<128x1xf32>
    %add3A_55 = vector.broadcast %slice3A_54 : vector<128x1xf32> to vector<128x4096xf32>
    %add3A_56 = arith.addf %add3A_53, %add3A_55 : vector<128x4096xf32>
    %lt3A_57 = arith.cmpf olt, %add3A_56, %select_n3A_47 : vector<128x4096xf32>
    %select_n3A_58 = arith.select %lt3A_57, %add3A_56, %select_n3A_47 : vector<128x4096xi1>, vector<128x4096xf32>
    %broadcast_in_dim3A_59 = arith.constant 4.000000e+00 : f32
    %broadcast_in_dim3A_60 = vector.broadcast %broadcast_in_dim3A_59 : f32 to vector<128x4096xf32>
    %select_n3A_61 = arith.select %lt3A_57, %broadcast_in_dim3A_60, %select_n3A_50 : vector<128x4096xi1>, vector<128x4096xf32>
    %slice3A_62 = vector.extract_strided_slice %dot_general3A_12 {offsets = [640, 0], sizes = [128, 4096], strides = [1, 1]} : vector<1024x4096xf32> to vector<128x4096xf32>
    %add3A_63 = vector.broadcast %broadcast_in_dim3A_13 : vector<1x4096xf32> to vector<128x4096xf32>
    %add3A_64 = arith.addf %add3A_63, %slice3A_62 : vector<128x4096xf32>
    %slice3A_65 = vector.extract_strided_slice %broadcast_in_dim3A {offsets = [640, 0], sizes = [128, 1], strides = [1, 1]} : vector<1024x1xf32> to vector<128x1xf32>
    %add3A_66 = vector.broadcast %slice3A_65 : vector<128x1xf32> to vector<128x4096xf32>
    %add3A_67 = arith.addf %add3A_64, %add3A_66 : vector<128x4096xf32>
    %lt3A_68 = arith.cmpf olt, %add3A_67, %select_n3A_58 : vector<128x4096xf32>
    %select_n3A_69 = arith.select %lt3A_68, %add3A_67, %select_n3A_58 : vector<128x4096xi1>, vector<128x4096xf32>
    %broadcast_in_dim3A_70 = arith.constant 5.000000e+00 : f32
    %broadcast_in_dim3A_71 = vector.broadcast %broadcast_in_dim3A_70 : f32 to vector<128x4096xf32>
    %select_n3A_72 = arith.select %lt3A_68, %broadcast_in_dim3A_71, %select_n3A_61 : vector<128x4096xi1>, vector<128x4096xf32>
    %slice3A_73 = vector.extract_strided_slice %dot_general3A_12 {offsets = [768, 0], sizes = [128, 4096], strides = [1, 1]} : vector<1024x4096xf32> to vector<128x4096xf32>
    %add3A_74 = vector.broadcast %broadcast_in_dim3A_13 : vector<1x4096xf32> to vector<128x4096xf32>
    %add3A_75 = arith.addf %add3A_74, %slice3A_73 : vector<128x4096xf32>
    %slice3A_76 = vector.extract_strided_slice %broadcast_in_dim3A {offsets = [768, 0], sizes = [128, 1], strides = [1, 1]} : vector<1024x1xf32> to vector<128x1xf32>
    %add3A_77 = vector.broadcast %slice3A_76 : vector<128x1xf32> to vector<128x4096xf32>
    %add3A_78 = arith.addf %add3A_75, %add3A_77 : vector<128x4096xf32>
    %lt3A_79 = arith.cmpf olt, %add3A_78, %select_n3A_69 : vector<128x4096xf32>
    %select_n3A_80 = arith.select %lt3A_79, %add3A_78, %select_n3A_69 : vector<128x4096xi1>, vector<128x4096xf32>
    %broadcast_in_dim3A_81 = arith.constant 6.000000e+00 : f32
    %broadcast_in_dim3A_82 = vector.broadcast %broadcast_in_dim3A_81 : f32 to vector<128x4096xf32>
    %select_n3A_83 = arith.select %lt3A_79, %broadcast_in_dim3A_82, %select_n3A_72 : vector<128x4096xi1>, vector<128x4096xf32>
    %slice3A_84 = vector.extract_strided_slice %dot_general3A_12 {offsets = [896, 0], sizes = [128, 4096], strides = [1, 1]} : vector<1024x4096xf32> to vector<128x4096xf32>
    %add3A_85 = vector.broadcast %broadcast_in_dim3A_13 : vector<1x4096xf32> to vector<128x4096xf32>
    %add3A_86 = arith.addf %add3A_85, %slice3A_84 : vector<128x4096xf32>
    %slice3A_87 = vector.extract_strided_slice %broadcast_in_dim3A {offsets = [896, 0], sizes = [128, 1], strides = [1, 1]} : vector<1024x1xf32> to vector<128x1xf32>
    %add3A_88 = vector.broadcast %slice3A_87 : vector<128x1xf32> to vector<128x4096xf32>
    %add3A_89 = arith.addf %add3A_86, %add3A_88 : vector<128x4096xf32>
    %lt3A_90 = arith.cmpf olt, %add3A_89, %select_n3A_80 : vector<128x4096xf32>
    %select_n3A_91 = arith.select %lt3A_90, %add3A_89, %select_n3A_80 : vector<128x4096xi1>, vector<128x4096xf32>
    %broadcast_in_dim3A_92 = arith.constant 7.000000e+00 : f32
    %broadcast_in_dim3A_93 = vector.broadcast %broadcast_in_dim3A_92 : f32 to vector<128x4096xf32>
    %select_n3A_94 = arith.select %lt3A_90, %broadcast_in_dim3A_93, %select_n3A_83 : vector<128x4096xi1>, vector<128x4096xf32>
    %iota3A = tpu.iota {dimensions = array<i32: 0>} : vector<128x4096xi32>
    %convert_element_type3A = arith.sitofp %iota3A : vector<128x4096xi32> to vector<128x4096xf32>
    %mul3A_95 = arith.constant 1.280000e+02 : f32
    %mul3A_96 = vector.broadcast %mul3A_95 : f32 to vector<128x4096xf32>
    %mul3A_97 = arith.mulf %select_n3A_94, %mul3A_96 : vector<128x4096xf32>
    %add3A_98 = arith.addf %mul3A_97, %convert_element_type3A : vector<128x4096xf32>
    %reduce_min3A = arith.constant dense<0x7F800000> : vector<4096xf32>
    %reduce_min3A_99 = vector.multi_reduction <minimumf>, %select_n3A_91, %reduce_min3A [0] : vector<128x4096xf32> to vector<4096xf32>
    %broadcast_in_dim3A_100 = vector.shape_cast %reduce_min3A_99 : vector<4096xf32> to vector<1x4096xf32>
    %eq3A = vector.broadcast %broadcast_in_dim3A_100 : vector<1x4096xf32> to vector<128x4096xf32>
    %eq3A_101 = arith.cmpf oeq, %select_n3A_91, %eq3A : vector<128x4096xf32>
    %jit3A = arith.constant 1.024000e+03 : f32
    %broadcast_in_dim3A_102 = vector.broadcast %jit3A : f32 to vector<128x4096xf32>
    %select_n3A_103 = arith.select %eq3A_101, %add3A_98, %broadcast_in_dim3A_102 : vector<128x4096xi1>, vector<128x4096xf32>
    %reduce_min3A_104 = arith.constant dense<0x7F800000> : vector<4096xf32>
    %reduce_min3A_105 = vector.multi_reduction <minimumf>, %select_n3A_103, %reduce_min3A_104 [0] : vector<128x4096xf32> to vector<4096xf32>
    %convert_element_type3A_106 = arith.fptosi %reduce_min3A_105 : vector<4096xf32> to vector<4096xi32>
    %swap3A = arith.constant 0 : index
    %swap3A_107 = vector.load %arg3[%swap3A] : memref<4096xi32, #tpu.memory_space<vmem>>, vector<4096xi32>
    tpu.vector_store %arg3[%swap3A], %convert_element_type3A_106 {strides = array<i32>} : memref<4096xi32, #tpu.memory_space<vmem>>, vector<4096xi32>,
    %eq3A_108 = arith.constant 0 : i32
    %eq3A_109 = arith.cmpi eq, %arg0, %eq3A_108 : i32
    %convert_element_type3A_110 = arith.extui %eq3A_109 : i1 to i32
    %cond3A = arith.constant 0 : i32
    %cond3A_111 = arith.cmpi ne, %convert_element_type3A_110, %cond3A : i32
    scf.if %cond3A_111 {
      %swap3A_124 = arith.constant 0.000000e+00 : f32
      %swap3A_125 = arith.constant 0 : index
      %swap3A_126 = arith.constant 0 : index
      %swap3A_127 = memref.load %arg4[%swap3A_125, %swap3A_126] : memref<1x1xf32, #tpu.memory_space<smem>>
      memref.store %swap3A_124, %arg4[%swap3A_125, %swap3A_126] : memref<1x1xf32, #tpu.memory_space<smem>>
    } else {
    }
    %get3A_112 = arith.constant 0 : index
    %get3A_113 = arith.constant 0 : index
    %get3A_114 = memref.load %arg4[%get3A_112, %get3A_113] : memref<1x1xf32, #tpu.memory_space<smem>>
    %reduce_sum3A_115 = vector.shape_cast %broadcast_in_dim3A_100 : vector<1x4096xf32> to vector<1x1x4096xf32>
    %reduce_sum3A_116 = arith.constant dense<0.000000e+00> : vector<1xf32>
    %reduce_sum3A_117 = vector.multi_reduction <add>, %reduce_sum3A_115, %reduce_sum3A_116 [1, 2] : vector<1x1x4096xf32> to vector<1xf32>
    %reduce_sum3A_118 = vector.shape_cast %reduce_sum3A_117 : vector<1xf32> to vector<1x1x1xf32>
    %reduce_sum3A_119 = vector.extract %reduce_sum3A_118[0, 0, 0] : f32 from vector<1x1x1xf32>
    %add3A_120 = arith.addf %get3A_114, %reduce_sum3A_119 : f32
    %swap3A_121 = arith.constant 0 : index
    %swap3A_122 = arith.constant 0 : index
    %swap3A_123 = memref.load %arg4[%swap3A_121, %swap3A_122] : memref<1x1xf32, #tpu.memory_space<smem>>
    memref.store %add3A_120, %arg4[%swap3A_121, %swap3A_122] : memref<1x1xf32, #tpu.memory_space<smem>>
    return
  }
  func.func @transform_0(%arg0: i32) -> (i32, i32) {
    %add3A = arith.constant 0 : i32
    %add3A_0 = arith.addi %arg0, %add3A : i32
    %c0_i32 = arith.constant 0 : i32
    %c0_i32_1 = arith.constant 0 : i32
    return %c0_i32, %add3A_0 : i32, i32
  }
  func.func @transform_1(%arg0: i32) -> (i32, i32) {
    %c0_i32 = arith.constant 0 : i32
    %c0_i32_0 = arith.constant 0 : i32
    %c0_i32_1 = arith.constant 0 : i32
    return %c0_i32, %c0_i32_0 : i32, i32
  }
  func.func @transform_2(%arg0: i32) -> i32 {
    %c0_i32 = arith.constant 0 : i32
    return %arg0 : i32
  }
  func.func @transform_3(%arg0: i32) -> (i32, i32) {
    %c0_i32 = arith.constant 0 : i32
    %c0_i32_0 = arith.constant 0 : i32
    %c0_i32_1 = arith.constant 0 : i32
    return %c0_i32, %c0_i32_0 : i32, i32
  }
}

module attributes {stable_mosaic.version = 14 : i64} {
  func.func @_tr_body_first(%arg0: i32, %arg1: memref<4096x128xf32, #tpu.memory_space<vmem>>, %arg2: memref<64x4096xf32, #tpu.memory_space<vmem>>) attributes {dimension_semantics = [#tpu.dimension_semantics<arbitrary>], iteration_bounds = array<i64: 2>, scalar_prefetch = 0 : i64, scratch_operands = 0 : i64, tpu.core_type = #tpu.core_type<tc>, window_params = [{transform_indices = @transform_0, window_bounds = array<i64: 4096, 128>}, {transform_indices = @transform_1, window_bounds = array<i64: 64, 4096>}]} {
    %get3A = arith.constant 0 : index
    %get3A_0 = arith.constant 0 : index
    %get3A_1 = vector.load %arg1[%get3A, %get3A_0] : memref<4096x128xf32, #tpu.memory_space<vmem>>, vector<4096x64xf32>
    %transpose3A = tpu.transpose %get3A_1, [1, 0] : vector<4096x64xf32> -> vector<64x4096xf32>
    %swap3A = arith.constant 0 : index
    %swap3A_2 = arith.constant 0 : index
    %swap3A_3 = vector.load %arg2[%swap3A, %swap3A_2] : memref<64x4096xf32, #tpu.memory_space<vmem>>, vector<64x4096xf32>
    tpu.vector_store %arg2[%swap3A, %swap3A_2], %transpose3A {strides = array<i32>} : memref<64x4096xf32, #tpu.memory_space<vmem>>, vector<64x4096xf32>,
    return
  }
  func.func @transform_0(%arg0: i32) -> (i32, i32) {
    %c0_i32 = arith.constant 0 : i32
    %c0_i32_0 = arith.constant 0 : i32
    return %arg0, %c0_i32 : i32, i32
  }
  func.func @transform_1(%arg0: i32) -> (i32, i32) {
    %add3A = arith.constant 0 : i32
    %add3A_0 = arith.addi %arg0, %add3A : i32
    %c0_i32 = arith.constant 0 : i32
    %c0_i32_1 = arith.constant 0 : i32
    return %c0_i32, %add3A_0 : i32, i32
  }
}

module attributes {stable_mosaic.version = 14 : i64} {
  func.func @_tr_body_acc(%arg0: i32, %arg1: memref<4096x128xf32, #tpu.memory_space<vmem>>, %arg2: memref<64x16384xf32, #tpu.memory_space<any>>, %arg3: memref<64x4096xf32, #tpu.memory_space<vmem>>) attributes {dimension_semantics = [#tpu.dimension_semantics<arbitrary>], iteration_bounds = array<i64: 2>, scalar_prefetch = 0 : i64, scratch_operands = 0 : i64, tpu.core_type = #tpu.core_type<tc>, window_params = [{transform_indices = @transform_0, window_bounds = array<i64: 4096, 128>}, {}, {transform_indices = @transform_2, window_bounds = array<i64: 64, 4096>}]} {
    %get3A = arith.constant 0 : index
    %get3A_0 = arith.constant 0 : index
    %get3A_1 = vector.load %arg1[%get3A, %get3A_0] : memref<4096x128xf32, #tpu.memory_space<vmem>>, vector<4096x64xf32>
    %transpose3A = tpu.transpose %get3A_1, [1, 0] : vector<4096x64xf32> -> vector<64x4096xf32>
    %swap3A = arith.constant 0 : index
    %swap3A_2 = arith.constant 0 : index
    %swap3A_3 = vector.load %arg3[%swap3A, %swap3A_2] : memref<64x4096xf32, #tpu.memory_space<vmem>>, vector<64x4096xf32>
    tpu.vector_store %arg3[%swap3A, %swap3A_2], %transpose3A {strides = array<i32>} : memref<64x4096xf32, #tpu.memory_space<vmem>>, vector<64x4096xf32>,
    return
  }
  func.func @transform_0(%arg0: i32) -> (i32, i32) {
    %c0_i32 = arith.constant 0 : i32
    %c0_i32_0 = arith.constant 0 : i32
    return %arg0, %c0_i32 : i32, i32
  }
  func.func @transform_2(%arg0: i32) -> (i32, i32) {
    %add3A = arith.constant 2 : i32
    %add3A_0 = arith.addi %arg0, %add3A : i32
    %c0_i32 = arith.constant 0 : i32
    %c0_i32_1 = arith.constant 0 : i32
    return %c0_i32, %add3A_0 : i32, i32
  }
}

</mosaic_0001>

<sc_bundles>
// kernel: kernel.11.cloned.1.call-start
scs
__scs_entry_jumppad:
0x0: {  	(pc) =	sbr.rel $0x88, $3  }
0x1: {  	(tag) =	ssettag $0x0;
	lr =	simm.s32 $0x1  }
0x2: {  	[smem:$0x3F9F] =	sst lr;
	_ =	strace $0xD0000000  }
0x3: {  	_ = 	snop  }
0x4: {  	_ = 	snop  }
0x5: {  	_ = 	snop  }
0x6: {  	_ = 	snop  }
0x7: {  	_ = 	snop  }
__scs_overlays_trampoline_lowered:
0x8: {  	[smem:$0x3FAE] =	sst s0  }
0x9: {  	[smem:$0x3FAF] =	sst s1  }
0xa: {  	[smem:$0x3FB0] =	sst s2  }
0xb: {  	[smem:$0x3FB1] =	sst s3  }
0xc: {  	[smem:$0x3FB2] =	sst s4  }
0xd: {  	[smem:$0x3FB3] =	sst s5  }
0xe: {  	[smem:$0x3FB4] =	sst s6  }
0xf: {  	[smem:$0x3FB5] =	sst s7  }
0x10: {  	[smem:$0x3FB6] =	sst s8  }
0x11: {  	[smem:$0x3FB7] =	sst s9;
	s0 =	simm.s32 @!p0 $0x0  }
0x12: {  	s1 =	sld [smem:$0x3F9D];
	s0 =	simm.s32 @p0 $0x1  }
0x13: {  	[smem:$0x3FB8] =	sst s0;
	s0 =	simm.s32 @!p1 $0x0  }
0x14: {  	s2 =	sld [smem:$0x3F9C];
	s0 =	simm.s32 @p1 $0x1  }
0x15: {  	[smem:$0x3FB9] =	sst s0;
	s0 =	simm.s32 @!p2 $0x0  }
0x16: {  	s3 =	sld [smem:$0x3FDB];
	s0 =	simm.s32 @p2 $0x1  }
0x17: {  	s4 =	simm.s32 $0x1BF5;
	[smem:$0x3FBB] =	sst s0  }
0x18: {  	s0 =	sld [smem:$0x3F9E];
	_ =	swait.ge [sflag:s4], $0x0  }
0x19: {  	s7 =	sld [smem:$0x3F9F]  }
0x1a: {  	s8 =	sadd.s32 $0xFFFFE003, lr  }
0x1b: {  	s9 =	sadd.s32 $0xFFFFFEF7, lr;
	s5 =	simm.s32 $0xFFFFFFFF;
	p2 =	slt.u32 s8, $0xFFFFF086  }
0x1c: {  	p1 =	slt.u32 s9, $0xF7A;
	s5 =	simm.s32 @!p2 $0x0  }
0x1d: {  	s5 =	simm.s32 @p1 $0x1;
	p0 =	seq.s32 s7, s2  }
0x1e: {  	s7 =	smul.u32 @!p0 $0xF7A, s2;
	p2 =	seq.s32 @!p0 s5, $0x0  }
0x1f: {  	s9 =	smul.u32 $0xF7A, s1;
	s8 =	simm.s32 @!p0 $0x1BF5;
	p2 =	por !p2, p0  }
0x20: {  	[sflag:s8] =	ssyncset.s32 @!p0 $0xFFFFF086;
	s6 =	sadd.s32 @!p0 s3, s7;
	s7 =	simm.s32 @!p0 $0x108  }
0x21: {  	s3 =	sadd.s32 s3, s9;
	s6 =	sadd.s32 @!p0 $0x88, s6;
	s7 =	simm.s32 @p2 $0x1082  }
0x22: {  	[simem:s7], [sflag:s8] =	dma.local @!p0 [hbm:s6], $0xF7A  }
0x23: {  	s9 =	sor.u32 $0xD0000000, s2;
	s6 =	simm.s32 $0x108;
	_ =	swait.ge @!p0 [sflag:s8], $0x0  }
0x24: {  	s3 =	sadd.s32 $0x88, s3;
	s6 =	simm.s32 @!p1 $0x1082;
	[sflag:s4] =	ssyncset.s32 $0xFFFFF086  }
0x25: {  	[simem:s6], [sflag:s4] =	dma.local [hbm:s3], $0xF7A  }
0x26: {  	[smem:$0x3F9F] =	sst s1;
	(tag) =	ssettag s2;
	_ =	strace s9  }
0x27: {  	s1 =	sld [smem:$0x3FAF]  }
0x28: {  	s2 =	sld [smem:$0x3FB0]  }
0x29: {  	s4 =	sld [smem:$0x3FB2]  }
0x2a: {  	p0 =	seq.s32 s5, $0x0;
	s5 =	sld [smem:$0x3FB3]  }
0x2b: {  	s6 =	sld [smem:$0x3FB4]  }
0x2c: {  	s7 =	sld [smem:$0x3FB5]  }
0x2d: {  	s3 =	simm.s32 $0x108;
	s8 =	sld [smem:$0x3FB6]  }
0x2e: {  	s3 =	simm.s32 @!p0 $0x1082;
	s9 =	sld [smem:$0x3FB7]  }
0x2f: {  	lr =	sadd.s32 s0, s3;
	s0 =	sld [smem:$0x3FAE]  }
0x30: {  	s3 =	sld [smem:$0x3FB1]  }
0x31: {  	[smem:$0x3FBA] =	sst s10  }
0x32: {  	s10 =	sld [smem:$0x3FB8];
	_ =	sdelay $0x3  }
0x33: {  	p0 =	seq.s32 s10, $0x1;
	s10 =	sld [smem:$0x3FBA];
	_ =	sdelay $0x3  }
0x34: {  	[smem:$0x3FBA] =	sst s10  }
0x35: {  	s10 =	sld [smem:$0x3FB9];
	_ =	sdelay $0x3  }
0x36: {  	p1 =	seq.s32 s10, $0x1;
	s10 =	sld [smem:$0x3FBA];
	_ =	sdelay $0x3  }
0x37: {  	[smem:$0x3FBA] =	sst s10  }
0x38: {  	s10 =	sld [smem:$0x3FBB]  }
0x39: {  	_ = 	snop;
	(pc) =	sbr.ind lr, $3  }
0x3a: {  	_ = 	snop  }
0x3b: {  	_ = 	snop  }
0x3c: {  	p2 =	seq.s32 s10, $0x1;
	s10 =	sld [smem:$0x3FBA]  }
0x3d: {  	_ =	shalt  }
0x3e: {  	_ =	shalt  }
0x3f: {  	_ =	shalt  }
0x40: {  	_ =	shalt  }
0x41: {  	_ =	shalt  }
0x42: {  	_ =	shalt  }
0x43: {  	_ =	shalt  }
0x44: {  	_ =	shalt  }
0x45: {  	_ =	shalt  }
0x46: {  	_ =	shalt  }
0x47: {  	_ =	shalt  }
0x48: {  	_ =	shalt  }
0x49: {  	_ =	shalt  }
0x4a: {  	_ =	shalt  }
0x4b: {  	_ =	shalt  }
0x4c: {  	_ =	shalt  }
0x4d: {  	_ =	shalt  }
0x4e: {  	_ =	shalt  }
0x4f: {  	_ =	shalt  }
0x50: {  	_ =	shalt  }
0x51: {  	_ =	shalt  }
0x52: {  	_ =	shalt  }
0x53: {  	_ =	shalt  }
0x54: {  	_ =	shalt  }
0x55: {  	_ =	shalt  }
0x56: {  	_ =	shalt  }
0x57: {  	_ =	shalt  }
0x58: {  	_ =	shalt  }
0x59: {  	_ =	shalt  }
0x5a: {  	_ =	shalt  }
0x5b: {  	_ =	shalt  }
0x5c: {  	_ =	shalt  }
0x5d: {  	_ =	shalt  }
0x5e: {  	_ =	shalt  }
0x5f: {  	_ =	shalt  }
0x60: {  	_ =	shalt  }
0x61: {  	_ =	shalt  }
0x62: {  	_ =	shalt  }
0x63: {  	_ =	shalt  }
0x64: {  	_ =	shalt  }
0x65: {  	_ =	shalt  }
0x66: {  	_ =	shalt  }
0x67: {  	_ =	shalt  }
0x68: {  	_ =	shalt  }
0x69: {  	_ =	shalt  }
0x6a: {  	_ =	shalt  }
0x6b: {  	_ =	shalt  }
0x6c: {  	_ =	shalt  }
0x6d: {  	_ =	shalt  }
0x6e: {  	_ =	shalt  }
0x6f: {  	_ =	shalt  }
0x70: {  	_ =	shalt  }
0x71: {  	_ =	shalt  }
0x72: {  	_ =	shalt  }
0x73: {  	_ =	shalt  }
0x74: {  	_ =	shalt  }
0x75: {  	_ =	shalt  }
0x76: {  	_ =	shalt  }
0x77: {  	_ =	shalt  }
0x78: {  	_ =	shalt  }
0x79: {  	_ =	shalt  }
0x7a: {  	_ =	shalt  }
0x7b: {  	_ =	shalt  }
0x7c: {  	_ =	shalt  }
0x7d: {  	_ =	shalt  }
0x7e: {  	_ =	shalt  }
0x7f: {  	_ =	shalt  }
0x80: {  	_ =	shalt  }
0x81: {  	_ =	shalt  }
0x82: {  	_ =	shalt  }
0x83: {  	_ =	shalt  }
0x84: {  	_ =	shalt  }
0x85: {  	_ =	shalt  }
0x86: {  	_ =	shalt  }
0x87: {  	_ =	shalt  }
.Lfunc_end0:
.L_simem_size_0:
called_computation.1_lowered:
.L_overlay_start_0:
0x88: {  	s2 =	sld [smem:$0x3FD9]  }
0x89: {  	s3 =	sld [smem:$0x3FFE];
	_ =	sdelay $0x1  }
0x8a: {  	s1 =	srdreg.scid  }
0x8b: {  	s0 =	sand.u32 $0x1, s1  }
0x8c: {  	s17 =	sshll.u32 s0, $0xA;
	s2 =	sadd.s32 s3, s2  }
0x8d: {  	s2 =	sadd.s32 s2, s17  }
0x8e: {  	[smem:$0x3FC6] =	sst s2  }
0x8f: {  	_ = 	snop  }
0x90: {  	(tm) =	ssettm $0x1  }
0x91: {  	s18 =	sld [smem:$0x3FFB];
	_ =	sdelay $0x3  }
0x92: {  	_ =	strace s18  }
0x93: {  	s2 =	sld [smem:$0x3FFC];
	_ =	sdelay $0x3  }
0x94: {  	_ =	strace s2  }
0x95: {  	s2 =	sld [smem:$0x3FFD];
	_ =	sdelay $0x3  }
0x96: {  	_ =	strace s2  }
0x97: {  	_ =	strace $0x8FFFFFFF  }
0x98: {  	s19 =	sld [smem:$0x3FDB];
	_ =	sdelay $0x1  }
0x99: {  	s20 =	simm.s32 $_scs_section_size  }
0x9a: {  	s4 =	simm.s32 $_size__tile_overlayer_lowered;
	s5 =	simm.s32 $_tile_overlayer_lowered  }
0x9b: {  	s6 =	simm.s32 $0x1BFF;
	s21 =	sshll.u32 s5, $0x1;
	s3 =	sadd.s32 s20, s19  }
0x9c: {  	s22 =	simm.s32 $0x0;
	s4 =	sshll.u32 s4, $0x1;
	s5 =	sadd.s32 s21, s3  }
0x9d: {  	[timem:s22], [sflag:s6] =	dma.local [hbm:s5], s4  }
0x9e: {  	_ =	swait.ge [sflag:s6], s4  }
0x9f: {  	s4 =	ssub.s32 $0x0, s4;
	[sflag:s6] =	ssyncset.done $0x0  }
0xa0: {  	[sflag:s6] =	ssyncadd.s32 s4;
	_ =	sdelay $0x1  }
0xa1: {  	s23 =	simm.s32 $0x1B8B  }
0xa2: {  	_ =	swait.ge [sflag:s23], $0x1  }
0xa3: {  	[sflag:s23] =	ssyncset.done $0x0  }
0xa4: {  	[sflag:s23] =	ssyncadd.s32 $0xFFFFFFFF  }
0xa5: {  	s4 =	sld [smem:$0x0]  }
0xa6: {  	s5 =	sand.u32 $0xFFFFFFFE, s1  }
0xa7: {  	p0 =	sne.s32 s1, s5  }
0xa8: {  	s5 =	sshll.u32 @p0 s5, $0xE  }
0xa9: {  	s5 =	sadd.s32 @p0 $0x11B8D, s5;
	s6 =	sshll.u32 @p0 s4, $0x11  }
0xaa: {  	s5 =	sor.u32 @p0 s6, s5  }
0xab: {  	[sflag:s5] =	ssyncadd.remote.s32 @p0 $0x1;
	_ =	sdelay $0x1  }
0xac: {  	s5 =	simm.s32 @p0 $0x1B8D  }
0xad: {  	_ =	swait.eq @p0 [sflag:s5], $0x1  }
0xae: {  	[sflag:s5] =	ssyncadd.s32 @p0 $0xFFFFFFFF  }
0xaf: {  	s6 =	sshll.u32 @!p0 s1, $0xE  }
0xb0: {  	s6 =	sor.u32 @!p0 $0x4000, s6;
	s5 =	simm.s32 @!p0 $0x1B8D  }
0xb1: {  	s4 =	sshll.u32 @!p0 s4, $0x11;
	s6 =	sadd.s32 @!p0 $0x11B8D, s6;
	_ =	swait.eq @!p0 [sflag:s5], $0x1  }
0xb2: {  	s4 =	sor.u32 @!p0 s4, s6;
	[sflag:s5] =	ssyncadd.s32 @!p0 $0xFFFFFFFF  }
0xb3: {  	s25 =	simm.s32 $0x1B8E;
	s24 =	sld [smem:$0x3FFE];
	[sflag:s4] =	ssyncadd.remote.s32 @!p0 $0x1  }
0xb4: {  	s26 =	simm.s32 $execute0_lowered;
	[smem:$0x3FD2] =	sst s25  }
0xb5: {  	s5 =	sshll.u32 s26, $0x1;
	_ =	strace $0x80000049;
	[dreg:$0x1] =	wrdreg $0xFFFFFFFF  }
0xb6: {  	s28 =	simm.s32 $_size_execute0_lowered;
	s3 =	sadd.s32 s3, s5;
	[dreg:$0x0] =	wrdreg $0x0  }
0xb7: {  	s5 =	sshll.u32 s28, $0x1;
	[dreg:$0x2] =	wrdreg s3  }
0xb8: {  	[dreg:$0x3] =	wrdreg s5  }
0xb9: {  	[dreg:$0x4] =	wrdreg $0xC0  }
0xba: {  	_ =	task [dreg:s22], $0x5FFFF  }
0xbb: {  	[dreg:$0x1] =	wrdreg $0xFFFFFFFF  }
0xbc: {  	[dreg:$0x0] =	wrdreg $0x60  }
0xbd: {  	[dreg:$0x2] =	wrdreg s24  }
0xbe: {  	[dreg:$0x3] =	wrdreg $0xA  }
0xbf: {  	_ =	task.clear_ibuf [dreg:s22], $0x4FFFF;
	_ =	strace $0x90000049  }
0xc0: {  	s29 =	simm.s32 $0xA;
	_ =	strace $0x8000004B  }
0xc1: {  	_ =	swait.ge [sflag:s29], $0x1  }
0xc2: {  	[sflag:s29] =	ssyncadd.s32 $0xFFFFFFFF  }
0xc3: {  	_ =	strace $0x9000004B  }
0xc4: {  	_ =	sfence  }
0xc5: {  	s30 =	sld [smem:$0x0];
	_ =	sdelay $0x2  }
0xc6: {  	s31 =	sshll.u32 s1, $0xD;
	s1 =	sshrl.u32 s1, $0x2  }
0xc7: {  	s4 =	sand.u32 $0x4000, s31;
	s1 =	sadd.s32 s1, s30  }
0xc8: {  	s0 =	sor.u32 s4, s0;
	s1 =	sshll.u32 s1, $0x11  }
0xc9: {  	s0 =	sor.u32 s1, s0  }
0xca: {  	s0 =	sadd.s32 $0x8F2B, s0  }
0xcb: {  	[sflag:s0] =	ssyncadd.remote.s32 $0x1  }
0xcc: {  	_ =	sfence.sel $0xFFFF  }
0xcd: {  	[dreg:$0x0] =	wrdreg $0xFFFFFFFF;
	(pc) =	sbr.abs _section_cstart, $3  }
0xce: {  	[dreg:$0x1] =	wrdreg $0xFFFFFFFF  }
0xcf: {  	_ =	task.clear_ibuf [dreg:s22], $0x2FFFF;
	_ =	strace $0x9FFFFFFF  }
0xd0: {  	(tm) =	ssettm $0x7FFFFFFF  }
0xd1: {  	_ =	shalt  }
tec
execute0_lowered:
.L_overlay_start_1:
0x0: {  	(tag) =	ssettag $0x1  }
0x1: {  	s1 =	srdreg.scid  }
0x2: {  	s0 =	stileid.u32;
	s6 =	sand.u32 $0x1, s1  }
0x3: {  	s8 =	rddreg [dreg:$0x0];
	s31 =	sshll.u32 s0, $0x9;
	s2 =	sshll.u32 s6, $0x8  }
0x4: {  	s1 =	rddreg [dreg:$0x1];
	s7 =	sor.u32 s2, s31  }
0x5: {  	s5 =	sadd.s32 $0x1E00, s8;
	s2 =	simm.s32 $0x0;
	s3 =	sshrl.u32 s7, $0x3  }
0x6: {  	s9 =	ssub.s32 $0x2, s6;
	[smem:$0x7FF] =	sst s2;
	s3 =	sadd.s32 s3, s8  }
0x7: {  	_ =	strace $0x8000004A;
	s4 =	sadd.s32 $0x4200, s3;
	s3 =	simm.s32 $0x2  }
0x8: {  	[tilespmem:s2], [sflag:$0x2] =	stream.linear.gather [hbm4b:s4+s2], $0x100, $0x38;
	[tilespmem:$0x4100] =	vst v63  }
0x9: {  	s6 =	simm.s32 $0x100;
	s11 =	sshrl.u32 s9, $0x1;
	_ =	swait.ge [sflag:s3], $0x100  }
0xa: {  	s10 =	sshll.u32 s7, $0x4;
	s9 =	ssub.s32 s9, s11;
	[sflag:s3] =	ssyncset.done $0x0  }
0xb: {  	s7 =	simm.s32 $0x1;
	s11 =	smax.u32 s9, $0x1;
	[sflag:s3] =	ssyncadd.s32 $0xFFFFFF00  }
0xc: {  	[tilespmem:s6], [sflag:$0x1] =	stream.indirect.gather [hbm4b:s5+s6], $0x40, s2, s6, $0xb8;
	[tilespmem:$0x4100] =	vst v63  }
0xd: {  	s8 =	sadd.s32 s10, s8;
	p0 =	sne.s32 s11, $0x1;
	_ =	swait.ge [sflag:s7], $0x4000  }
.Ltmp0:
0xe: {  	s9 =	simm.s32 $0x40;
	[sflag:s7] =	ssyncset.done $0x0;
	(pc) =	sbr.rel @!p0 .LBB2_2-.Ltmp0, $4  }
0xf: {  	s10 =	simm.s32 $0x80;
	s8 =	sadd.s32 $0x4600, s8;
	[sflag:s7] =	ssyncadd.s32 $0xFFFFC000  }
0x10: {  	[hbm4b:s8+s9] =	stream.strided.scatter [tilespmem:s6], [sflag:$0x2], $0x4000, s10, s9, $0x38;
	[tilespmem:$0x4100] =	vst v63  }
0x11: {  	_ =	swait.ge [sflag:s3], $0x4000  }
0x12: {  	s11 =	sadd.s32 $0xFFFFFFFF, s11;
	[sflag:s3] =	ssyncset.done $0x0  }
.LBB2_1:
0x13: {  	p0 =	sne.s32 s11, $0x1;
	s11 =	sadd.s32 $0xFFFFFFFF, s11;
	[sflag:s3] =	ssyncadd.s32 $0xFFFFC000  }
0x14: {  	[tilespmem:s2], [sflag:$0x2] =	stream.linear.gather [hbm4b:s4+s2], $0x100, $0x38;
	[tilespmem:$0x4100] =	vst v63  }
0x15: {  	_ =	swait.ge [sflag:s3], $0x100  }
0x16: {  	[sflag:s3] =	ssyncset.done $0x0  }
0x17: {  	[sflag:s3] =	ssyncadd.s32 $0xFFFFFF00  }
0x18: {  	[tilespmem:s6], [sflag:$0x1] =	stream.indirect.gather [hbm4b:s5+s6], $0x40, s2, s6, $0xb8;
	[tilespmem:$0x4100] =	vst v63  }
0x19: {  	_ =	swait.ge [sflag:s7], $0x4000  }
.Ltmp1:
0x1a: {  	[sflag:s7] =	ssyncset.done $0x0;
	(pc) =	sbr.rel @p0 .LBB2_1-.Ltmp1, $4  }
0x1b: {  	[sflag:s7] =	ssyncadd.s32 $0xFFFFC000  }
0x1c: {  	[hbm4b:s8+s9] =	stream.strided.scatter [tilespmem:s6], [sflag:$0x2], $0x4000, s10, s9, $0x38;
	[tilespmem:$0x4100] =	vst v63  }
0x1d: {  	_ =	swait.ge [sflag:s3], $0x4000  }
0x1e: {  	[sflag:s3] =	ssyncset.done $0x0  }
.LBB2_2:
0x1f: {  	[sflag:s3] =	ssyncadd.s32 $0xFFFFC000  }
0x20: {  	_ =	sfence.sel $0x180000  }
0x21: {  	[bflag:$0x0] =	sbarrier.arrive $0xFFFF  }
0x22: {  	p0 =	sne.s32 s0, $0x0;
	_ =	strace $0x9000004A  }
0x23: {  	s0 =	sadd.s32 @!p0 $0x100000, s1;
	[bflag:$0x2] =	sbarrier.arrive $0xFFFF  }
0x24: {  	[sflag:s0] =	ssyncadd.tile.s32 @!p0 $0x1;
	_ =	shalt  }
.Lfunc_end2:
_tile_overlayer_lowered:
.L_overlay_start_2:
0x25: {  	(tag) =	ssettag $0x2  }
0x26: {  	s0 =	rddreg [dreg:$0x0];
	s2 =	stileid.u32  }
0x27: {  	s1 =	rddreg [dreg:$0x1];
	p0 =	sne.s32 s2, $0x0  }
0x28: {  	s3 =	rddreg [dreg:$0x2];
	[bflag:$0x3] =	sbarrier.arrive $0xFFFF;
	s2 =	simm.s32 @!p0 $0x1C02  }
0x29: {  	[timem:s3], [sflag:s2] =	dma.local @!p0 [hbm:s0], s1  }
0x2a: {  	s0 =	simm.s32 @!p0 $0x2  }
0x2b: {  	_ =	swait.ge @!p0 [sflag:s0], s1  }
0x2c: {  	s1 =	ssub.s32 @!p0 $0x0, s1;
	[sflag:s0] =	ssyncset.done @!p0 $0x0  }
0x2d: {  	[sflag:s0] =	ssyncadd.s32 @!p0 s1  }
0x2e: {  	[bflag:$0x3] =	sbarrier.arrive $0xFFFF  }
0x2f: {  	_ =	shalt  }

// kernel: kernel.8.cloned.1.call-start
scs
__scs_entry_jumppad:
0x0: {  	(pc) =	sbr.rel $0x88, $3  }
0x1: {  	(tag) =	ssettag $0x0;
	lr =	simm.s32 $0x1  }
0x2: {  	[smem:$0x3F9F] =	sst lr;
	_ =	strace $0xD0000000  }
0x3: {  	_ = 	snop  }
0x4: {  	_ = 	snop  }
0x5: {  	_ = 	snop  }
0x6: {  	_ = 	snop  }
0x7: {  	_ = 	snop  }
__scs_overlays_trampoline_lowered:
0x8: {  	[smem:$0x3FAE] =	sst s0  }
0x9: {  	[smem:$0x3FAF] =	sst s1  }
0xa: {  	[smem:$0x3FB0] =	sst s2  }
0xb: {  	[smem:$0x3FB1] =	sst s3  }
0xc: {  	[smem:$0x3FB2] =	sst s4  }
0xd: {  	[smem:$0x3FB3] =	sst s5  }
0xe: {  	[smem:$0x3FB4] =	sst s6  }
0xf: {  	[smem:$0x3FB5] =	sst s7  }
0x10: {  	[smem:$0x3FB6] =	sst s8  }
0x11: {  	[smem:$0x3FB7] =	sst s9;
	s0 =	simm.s32 @!p0 $0x0  }
0x12: {  	s1 =	sld [smem:$0x3F9D];
	s0 =	simm.s32 @p0 $0x1  }
0x13: {  	[smem:$0x3FB8] =	sst s0;
	s0 =	simm.s32 @!p1 $0x0  }
0x14: {  	s2 =	sld [smem:$0x3F9C];
	s0 =	simm.s32 @p1 $0x1  }
0x15: {  	[smem:$0x3FB9] =	sst s0;
	s0 =	simm.s32 @!p2 $0x0  }
0x16: {  	s3 =	sld [smem:$0x3FDB];
	s0 =	simm.s32 @p2 $0x1  }
0x17: {  	s4 =	simm.s32 $0x1BF5;
	[smem:$0x3FBB] =	sst s0  }
0x18: {  	s0 =	sld [smem:$0x3F9E];
	_ =	swait.ge [sflag:s4], $0x0  }
0x19: {  	s7 =	sld [smem:$0x3F9F]  }
0x1a: {  	s8 =	sadd.s32 $0xFFFFE003, lr  }
0x1b: {  	s9 =	sadd.s32 $0xFFFFFEF7, lr;
	s5 =	simm.s32 $0xFFFFFFFF;
	p2 =	slt.u32 s8, $0xFFFFF086  }
0x1c: {  	p1 =	slt.u32 s9, $0xF7A;
	s5 =	simm.s32 @!p2 $0x0  }
0x1d: {  	s5 =	simm.s32 @p1 $0x1;
	p0 =	seq.s32 s7, s2  }
0x1e: {  	s7 =	smul.u32 @!p0 $0xF7A, s2;
	p2 =	seq.s32 @!p0 s5, $0x0  }
0x1f: {  	s9 =	smul.u32 $0xF7A, s1;
	s8 =	simm.s32 @!p0 $0x1BF5;
	p2 =	por !p2, p0  }
0x20: {  	[sflag:s8] =	ssyncset.s32 @!p0 $0xFFFFF086;
	s6 =	sadd.s32 @!p0 s3, s7;
	s7 =	simm.s32 @!p0 $0x108  }
0x21: {  	s3 =	sadd.s32 s3, s9;
	s6 =	sadd.s32 @!p0 $0x88, s6;
	s7 =	simm.s32 @p2 $0x1082  }
0x22: {  	[simem:s7], [sflag:s8] =	dma.local @!p0 [hbm:s6], $0xF7A  }
0x23: {  	s9 =	sor.u32 $0xD0000000, s2;
	s6 =	simm.s32 $0x108;
	_ =	swait.ge @!p0 [sflag:s8], $0x0  }
0x24: {  	s3 =	sadd.s32 $0x88, s3;
	s6 =	simm.s32 @!p1 $0x1082;
	[sflag:s4] =	ssyncset.s32 $0xFFFFF086  }
0x25: {  	[simem:s6], [sflag:s4] =	dma.local [hbm:s3], $0xF7A  }
0x26: {  	[smem:$0x3F9F] =	sst s1;
	(tag) =	ssettag s2;
	_ =	strace s9  }
0x27: {  	s1 =	sld [smem:$0x3FAF]  }
0x28: {  	s2 =	sld [smem:$0x3FB0]  }
0x29: {  	s4 =	sld [smem:$0x3FB2]  }
0x2a: {  	p0 =	seq.s32 s5, $0x0;
	s5 =	sld [smem:$0x3FB3]  }
0x2b: {  	s6 =	sld [smem:$0x3FB4]  }
0x2c: {  	s7 =	sld [smem:$0x3FB5]  }
0x2d: {  	s3 =	simm.s32 $0x108;
	s8 =	sld [smem:$0x3FB6]  }
0x2e: {  	s3 =	simm.s32 @!p0 $0x1082;
	s9 =	sld [smem:$0x3FB7]  }
0x2f: {  	lr =	sadd.s32 s0, s3;
	s0 =	sld [smem:$0x3FAE]  }
0x30: {  	s3 =	sld [smem:$0x3FB1]  }
0x31: {  	[smem:$0x3FBA] =	sst s10  }
0x32: {  	s10 =	sld [smem:$0x3FB8];
	_ =	sdelay $0x3  }
0x33: {  	p0 =	seq.s32 s10, $0x1;
	s10 =	sld [smem:$0x3FBA];
	_ =	sdelay $0x3  }
0x34: {  	[smem:$0x3FBA] =	sst s10  }
0x35: {  	s10 =	sld [smem:$0x3FB9];
	_ =	sdelay $0x3  }
0x36: {  	p1 =	seq.s32 s10, $0x1;
	s10 =	sld [smem:$0x3FBA];
	_ =	sdelay $0x3  }
0x37: {  	[smem:$0x3FBA] =	sst s10  }
0x38: {  	s10 =	sld [smem:$0x3FBB]  }
0x39: {  	_ = 	snop;
	(pc) =	sbr.ind lr, $3  }
0x3a: {  	_ = 	snop  }
0x3b: {  	_ = 	snop  }
0x3c: {  	p2 =	seq.s32 s10, $0x1;
	s10 =	sld [smem:$0x3FBA]  }
0x3d: {  	_ =	shalt  }
0x3e: {  	_ =	shalt  }
0x3f: {  	_ =	shalt  }
0x40: {  	_ =	shalt  }
0x41: {  	_ =	shalt  }
0x42: {  	_ =	shalt  }
0x43: {  	_ =	shalt  }
0x44: {  	_ =	shalt  }
0x45: {  	_ =	shalt  }
0x46: {  	_ =	shalt  }
0x47: {  	_ =	shalt  }
0x48: {  	_ =	shalt  }
0x49: {  	_ =	shalt  }
0x4a: {  	_ =	shalt  }
0x4b: {  	_ =	shalt  }
0x4c: {  	_ =	shalt  }
0x4d: {  	_ =	shalt  }
0x4e: {  	_ =	shalt  }
0x4f: {  	_ =	shalt  }
0x50: {  	_ =	shalt  }
0x51: {  	_ =	shalt  }
0x52: {  	_ =	shalt  }
0x53: {  	_ =	shalt  }
0x54: {  	_ =	shalt  }
0x55: {  	_ =	shalt  }
0x56: {  	_ =	shalt  }
0x57: {  	_ =	shalt  }
0x58: {  	_ =	shalt  }
0x59: {  	_ =	shalt  }
0x5a: {  	_ =	shalt  }
0x5b: {  	_ =	shalt  }
0x5c: {  	_ =	shalt  }
0x5d: {  	_ =	shalt  }
0x5e: {  	_ =	shalt  }
0x5f: {  	_ =	shalt  }
0x60: {  	_ =	shalt  }
0x61: {  	_ =	shalt  }
0x62: {  	_ =	shalt  }
0x63: {  	_ =	shalt  }
0x64: {  	_ =	shalt  }
0x65: {  	_ =	shalt  }
0x66: {  	_ =	shalt  }
0x67: {  	_ =	shalt  }
0x68: {  	_ =	shalt  }
0x69: {  	_ =	shalt  }
0x6a: {  	_ =	shalt  }
0x6b: {  	_ =	shalt  }
0x6c: {  	_ =	shalt  }
0x6d: {  	_ =	shalt  }
0x6e: {  	_ =	shalt  }
0x6f: {  	_ =	shalt  }
0x70: {  	_ =	shalt  }
0x71: {  	_ =	shalt  }
0x72: {  	_ =	shalt  }
0x73: {  	_ =	shalt  }
0x74: {  	_ =	shalt  }
0x75: {  	_ =	shalt  }
0x76: {  	_ =	shalt  }
0x77: {  	_ =	shalt  }
0x78: {  	_ =	shalt  }
0x79: {  	_ =	shalt  }
0x7a: {  	_ =	shalt  }
0x7b: {  	_ =	shalt  }
0x7c: {  	_ =	shalt  }
0x7d: {  	_ =	shalt  }
0x7e: {  	_ =	shalt  }
0x7f: {  	_ =	shalt  }
0x80: {  	_ =	shalt  }
0x81: {  	_ =	shalt  }
0x82: {  	_ =	shalt  }
0x83: {  	_ =	shalt  }
0x84: {  	_ =	shalt  }
0x85: {  	_ =	shalt  }
0x86: {  	_ =	shalt  }
0x87: {  	_ =	shalt  }
.Lfunc_end0:
.L_simem_size_0:
called_computation_lowered:
.L_overlay_start_0:
0x88: {  	s2 =	sld [smem:$0x3FD9]  }
0x89: {  	s3 =	sld [smem:$0x3FFE];
	_ =	sdelay $0x1  }
0x8a: {  	s1 =	srdreg.scid  }
0x8b: {  	s0 =	sand.u32 $0x1, s1  }
0x8c: {  	s14 =	sshll.u32 s0, $0xA;
	s2 =	sadd.s32 s3, s2  }
0x8d: {  	s2 =	sadd.s32 s2, s14  }
0x8e: {  	[smem:$0x3FC6] =	sst s2  }
0x8f: {  	_ = 	snop  }
0x90: {  	s2 =	sld [smem:$0x3FD0];
	_ =	sdelay $0x2  }
0x91: {  	s15 =	simm.s32 $0xB;
	s4 =	simm.s32 $0x10  }
0x92: {  	[smem:s4], [sflag:s15] =	dma.local [hbm:s2], $0x1  }
0x93: {  	_ =	swait.eq [sflag:s15], $0x1  }
0x94: {  	[sflag:s15] =	ssyncset.done $0x0  }
0x95: {  	[sflag:s15] =	ssyncadd.s32 $0xFFFFFFFF  }
0x96: {  	s16 =	sld [smem:$0x10];
	(tm) =	ssettm $0x1  }
0x97: {  	s17 =	sld [smem:$0x3FFB];
	_ =	sdelay $0x3  }
0x98: {  	_ =	strace s17  }
0x99: {  	s3 =	sld [smem:$0x3FFC];
	_ =	sdelay $0x3  }
0x9a: {  	_ =	strace s3  }
0x9b: {  	s3 =	sld [smem:$0x3FFD];
	_ =	sdelay $0x3  }
0x9c: {  	_ =	strace s3  }
0x9d: {  	_ =	strace $0x8FFFFFFF  }
0x9e: {  	s18 =	sld [smem:$0x3FDB];
	_ =	sdelay $0x1  }
0x9f: {  	s19 =	simm.s32 $_scs_section_size  }
0xa0: {  	s5 =	simm.s32 $_size__tile_overlayer_lowered;
	s6 =	simm.s32 $_tile_overlayer_lowered  }
0xa1: {  	s22 =	simm.s32 $0x1BFF;
	s21 =	sshll.u32 s6, $0x1;
	s3 =	sadd.s32 s19, s18  }
0xa2: {  	s7 =	simm.s32 $0x0;
	s20 =	sshll.u32 s5, $0x1;
	s5 =	sadd.s32 s21, s3  }
0xa3: {  	[timem:s7], [sflag:s22] =	dma.local [hbm:s5], s20  }
0xa4: {  	_ =	swait.ge [sflag:s22], s20  }
0xa5: {  	s4 =	ssub.s32 $0x0, s20;
	[sflag:s22] =	ssyncset.done $0x0  }
0xa6: {  	[sflag:s22] =	ssyncadd.s32 s4;
	_ =	sdelay $0x1  }
0xa7: {  	s23 =	simm.s32 $0x1B8B  }
0xa8: {  	_ =	swait.ge [sflag:s23], $0x1  }
0xa9: {  	[sflag:s23] =	ssyncset.done $0x0  }
0xaa: {  	s25 =	simm.s32 $0x1B8E;
	s24 =	sld [smem:$0x3FFE];
	[sflag:s23] =	ssyncadd.s32 $0xFFFFFFFF  }
0xab: {  	s26 =	simm.s32 $execute0_lowered;
	[smem:$0x3FD2] =	sst s25  }
0xac: {  	s5 =	sshll.u32 s26, $0x1;
	_ =	strace $0x80000046;
	[dreg:$0x1] =	wrdreg $0xFFFFFFFF  }
0xad: {  	s28 =	simm.s32 $_size_execute0_lowered;
	s3 =	sadd.s32 s3, s5;
	[dreg:$0x0] =	wrdreg $0x0  }
0xae: {  	s5 =	sshll.u32 s28, $0x1;
	[dreg:$0x2] =	wrdreg s3  }
0xaf: {  	[dreg:$0x3] =	wrdreg s5  }
0xb0: {  	[dreg:$0x4] =	wrdreg $0xC0  }
0xb1: {  	_ =	task [dreg:s7], $0x5FFFF  }
0xb2: {  	[dreg:$0x1] =	wrdreg $0xFFFFFFFF  }
0xb3: {  	[dreg:$0x0] =	wrdreg $0x60  }
0xb4: {  	[dreg:$0x2] =	wrdreg s24  }
0xb5: {  	[dreg:$0x3] =	wrdreg s16  }
0xb6: {  	[dreg:$0x4] =	wrdreg $0x9  }
0xb7: {  	_ =	task.clear_ibuf [dreg:s7], $0x5FFFF;
	_ =	strace $0x90000046  }
0xb8: {  	s29 =	simm.s32 $0x9;
	_ =	strace $0x80000048  }
0xb9: {  	_ =	swait.ge [sflag:s29], $0x1  }
0xba: {  	[sflag:s29] =	ssyncadd.s32 $0xFFFFFFFF  }
0xbb: {  	_ =	strace $0x90000048  }
0xbc: {  	_ =	sfence  }
0xbd: {  	s30 =	sld [smem:$0x0];
	_ =	sdelay $0x2  }
0xbe: {  	s31 =	sshll.u32 s1, $0xD;
	s1 =	sshrl.u32 s1, $0x2  }
0xbf: {  	s3 =	sand.u32 $0x4000, s31;
	s1 =	sadd.s32 s1, s30  }
0xc0: {  	s0 =	sor.u32 s3, s0;
	s1 =	sshll.u32 s1, $0x11  }
0xc1: {  	s0 =	sor.u32 s1, s0  }
0xc2: {  	s0 =	sadd.s32 $0x8F2B, s0  }
0xc3: {  	[sflag:s0] =	ssyncadd.remote.s32 $0x1  }
0xc4: {  	_ =	sfence.sel $0xFFFF  }
0xc5: {  	[dreg:$0x0] =	wrdreg $0xFFFFFFFF;
	(pc) =	sbr.abs _section_cstart, $3  }
0xc6: {  	[dreg:$0x1] =	wrdreg $0xFFFFFFFF  }
0xc7: {  	_ =	task.clear_ibuf [dreg:s7], $0x2FFFF;
	_ =	strace $0x9FFFFFFF  }
0xc8: {  	(tm) =	ssettm $0x7FFFFFFF  }
0xc9: {  	_ =	shalt  }
tec
execute0_lowered:
.L_overlay_start_1:
0x0: {  	(tag) =	ssettag $0x1  }
0x1: {  	s1 =	srdreg.scid  }
0x2: {  	s0 =	stileid.u32;
	s5 =	sand.u32 $0x1, s1  }
0x3: {  	s6 =	rddreg [dreg:$0x0];
	s31 =	sshll.u32 s0, $0x9;
	s2 =	sshll.u32 s5, $0x8  }
0x4: {  	s8 =	rddreg [dreg:$0x1];
	s9 =	sor.u32 s2, s31  }
0x5: {  	s1 =	rddreg [dreg:$0x2];
	s2 =	simm.s32 $0x0;
	s3 =	sshrl.u32 s9, $0x3  }
0x6: {  	s10 =	ssub.s32 $0x2, s5;
	[smem:$0x7FF] =	sst s2;
	s3 =	sadd.s32 s3, s6  }
0x7: {  	_ =	strace $0x80000047;
	s4 =	sadd.s32 $0x3E00, s3;
	s3 =	simm.s32 $0x2  }
0x8: {  	[tilespmem:s2], [sflag:$0x2] =	stream.linear.gather [hbm4b:s4+s2], $0x100, $0x38;
	[tilespmem:$0x4100] =	vst v63  }
0x9: {  	s7 =	simm.s32 $0x1;
	s11 =	sshrl.u32 s10, $0x1;
	_ =	swait.ge [sflag:s3], $0x100  }
0xa: {  	s5 =	sadd.s32 $0x1E00, s6;
	s10 =	ssub.s32 s10, s11;
	[sflag:s3] =	ssyncset.done $0x0  }
0xb: {  	s6 =	simm.s32 $0x100;
	s11 =	smax.u32 s10, $0x1;
	[sflag:s3] =	ssyncadd.s32 $0xFFFFFF00  }
0xc: {  	[tilespmem:s6], [sflag:$0x1] =	stream.indirect.gather [hbm4b:s5+s6], $0x40, s2, s6, $0xb8;
	[tilespmem:$0x4100] =	vst v63  }
0xd: {  	s9 =	sshll.u32 s9, $0x4;
	p0 =	sne.s32 s11, $0x1;
	_ =	swait.ge [sflag:s7], $0x4000  }
.Ltmp0:
0xe: {  	s8 =	sadd.s32 s8, s9;
	[sflag:s7] =	ssyncset.done $0x0;
	(pc) =	sbr.rel @!p0 .LBB2_2-.Ltmp0, $4  }
0xf: {  	s9 =	simm.s32 $0x40;
	s10 =	simm.s32 $0x80;
	[sflag:s7] =	ssyncadd.s32 $0xFFFFC000  }
0x10: {  	[hbm4b:s8+s9] =	stream.strided.scatter [tilespmem:s6], [sflag:$0x2], $0x4000, s10, s9, $0x38;
	[tilespmem:$0x4100] =	vst v63  }
0x11: {  	_ =	swait.ge [sflag:s3], $0x4000  }
0x12: {  	s11 =	sadd.s32 $0xFFFFFFFF, s11;
	[sflag:s3] =	ssyncset.done $0x0  }
.LBB2_1:
0x13: {  	p0 =	sne.s32 s11, $0x1;
	s11 =	sadd.s32 $0xFFFFFFFF, s11;
	[sflag:s3] =	ssyncadd.s32 $0xFFFFC000  }
0x14: {  	[tilespmem:s2], [sflag:$0x2] =	stream.linear.gather [hbm4b:s4+s2], $0x100, $0x38;
	[tilespmem:$0x4100] =	vst v63  }
0x15: {  	_ =	swait.ge [sflag:s3], $0x100  }
0x16: {  	[sflag:s3] =	ssyncset.done $0x0  }
0x17: {  	[sflag:s3] =	ssyncadd.s32 $0xFFFFFF00  }
0x18: {  	[tilespmem:s6], [sflag:$0x1] =	stream.indirect.gather [hbm4b:s5+s6], $0x40, s2, s6, $0xb8;
	[tilespmem:$0x4100] =	vst v63  }
0x19: {  	_ =	swait.ge [sflag:s7], $0x4000  }
.Ltmp1:
0x1a: {  	[sflag:s7] =	ssyncset.done $0x0;
	(pc) =	sbr.rel @p0 .LBB2_1-.Ltmp1, $4  }
0x1b: {  	[sflag:s7] =	ssyncadd.s32 $0xFFFFC000  }
0x1c: {  	[hbm4b:s8+s9] =	stream.strided.scatter [tilespmem:s6], [sflag:$0x2], $0x4000, s10, s9, $0x38;
	[tilespmem:$0x4100] =	vst v63  }
0x1d: {  	_ =	swait.ge [sflag:s3], $0x4000  }
0x1e: {  	[sflag:s3] =	ssyncset.done $0x0  }
.LBB2_2:
0x1f: {  	[sflag:s3] =	ssyncadd.s32 $0xFFFFC000  }
0x20: {  	_ =	sfence.sel $0x180000  }
0x21: {  	[bflag:$0x0] =	sbarrier.arrive $0xFFFF  }
0x22: {  	p0 =	sne.s32 s0, $0x0;
	_ =	strace $0x90000047  }
0x23: {  	s0 =	sadd.s32 @!p0 $0x100000, s1;
	[bflag:$0x2] =	sbarrier.arrive $0xFFFF  }
0x24: {  	[sflag:s0] =	ssyncadd.tile.s32 @!p0 $0x1;
	_ =	shalt  }
.Lfunc_end2:
_tile_overlayer_lowered:
.L_overlay_start_2:
0x25: {  	(tag) =	ssettag $0x2  }
0x26: {  	s0 =	rddreg [dreg:$0x0];
	s2 =	stileid.u32  }
0x27: {  	s1 =	rddreg [dreg:$0x1];
	p0 =	sne.s32 s2, $0x0  }
0x28: {  	s3 =	rddreg [dreg:$0x2];
	[bflag:$0x3] =	sbarrier.arrive $0xFFFF;
	s2 =	simm.s32 @!p0 $0x1C02  }
0x29: {  	[timem:s3], [sflag:s2] =	dma.local @!p0 [hbm:s0], s1  }
0x2a: {  	s0 =	simm.s32 @!p0 $0x2  }
0x2b: {  	_ =	swait.ge @!p0 [sflag:s0], s1  }
0x2c: {  	s1 =	ssub.s32 @!p0 $0x0, s1;
	[sflag:s0] =	ssyncset.done @!p0 $0x0  }
0x2d: {  	[sflag:s0] =	ssyncadd.s32 @!p0 s1  }
0x2e: {  	[bflag:$0x3] =	sbarrier.arrive $0xFFFF  }
0x2f: {  	_ =	shalt  }

</sc_bundles>
